<compile_context>
chip_gen: v7x
topology: tpu7x:2x2x1
jax: 0.10.2.dev20260603
libtpu: 0.0.44.dev20260713+nightly
codegen_flags: <defaults>
</compile_context>

<pallas_src>
import functools

import jax
import jax.numpy as jnp
from jax import lax
from jax.experimental import pallas as pl
from jax.experimental.pallas import tpu as pltpu
from jax.experimental.pallas import tpu_sc as plsc

N_OUT = 16384
SPAN = 1000000

_info = plsc.get_sparse_core_info()
_NC, _NS, _L = _info.num_cores, _info.num_subcores, _info.num_lanes
_NW = _NC * _NS
_PER_W = N_OUT // _NW
_VREGS = _PER_W // _L


def _rotl(x, r):
    return (x << jnp.uint32(r)) | (x >> jnp.uint32(32 - r))


def _threefry2x32(k0, k1, x0, x1):
    ks2 = k0 ^ k1 ^ jnp.uint32(0x1BD11BDA)
    ks = (k0, k1, ks2)
    rots = ((13, 15, 26, 6), (17, 29, 16, 24))
    x0 = x0 + k0
    x1 = x1 + k1
    for i in range(5):
        for r in rots[i % 2]:
            x0 = x0 + x1
            x1 = _rotl(x1, r)
            x1 = x1 ^ x0
        x0 = x0 + ks[(i + 1) % 3]
        x1 = x1 + ks[(i + 2) % 3] + jnp.uint32(i + 1)
    return x0, x1


def _mod_span(bits):
    q = (bits.astype(jnp.float32) * jnp.float32(1.0 / SPAN)).astype(jnp.int32)
    r = (bits - q.astype(jnp.uint32) * jnp.uint32(SPAN)).astype(jnp.int32)
    r = jnp.where(r < 0, r + jnp.int32(SPAN), r)
    r = jnp.where(r >= jnp.int32(SPAN), r - jnp.int32(SPAN), r)
    return r


def _sc_body(key_hbm, out_hbm, key_v, out_v):
    wid = lax.axis_index("s") * _NC + lax.axis_index("c")
    pltpu.sync_copy(key_hbm, key_v.at[pl.ds(0, 2)])
    kv = key_v[...]
    k0 = jnp.full((_L,), kv[0], jnp.uint32)
    k1 = jnp.full((_L,), kv[1], jnp.uint32)

    zero = jnp.zeros((_L,), jnp.uint32)
    c, d = _threefry2x32(k0, k1, zero, jnp.full((_L,), 1, jnp.uint32))

    base = (wid * _PER_W).astype(jnp.uint32)
    idx = lax.iota(jnp.uint32, _L)
    def step(j, carry):
        cnt = idx + base + (j * _L).astype(jnp.uint32)
        y0, y1 = _threefry2x32(c, d, zero, cnt)
        out_v[pl.ds(j * _L, _L)] = _mod_span(y0 ^ y1)
        return carry

    lax.fori_loop(0, _VREGS, step, 0, unroll=1)

    pltpu.sync_copy(out_v, out_hbm.at[pl.ds(wid * _PER_W, _PER_W)])


@jax.jit
def _sample(key_arr):
    mesh = plsc.VectorSubcoreMesh(
        core_axis_name="c", subcore_axis_name="s", num_cores=_NC)
    f = functools.partial(
        pl.kernel,
        mesh=mesh,
        out_type=jax.ShapeDtypeStruct((N_OUT,), jnp.int32),
        scratch_types=[
            pltpu.VMEM((_L,), jnp.uint32),
            pltpu.VMEM((_PER_W,), jnp.int32),
        ],
    )(_sc_body)
    return f(key_arr)


def kernel(key):
    return _sample(jax.random.key_data(key).astype(jnp.uint32))

# --- scband reference (transcript-rebuilt; emitter-appended) ---
"""Pipeline reference for scband-discrete-83210696392813 (READ-ONLY COPY).

The authoritative reference and input builder live on the scoring server;
editing this copy changes nothing except your own understanding.
"""

import jax, jax.numpy as jnp
import numpy as np

N = 1000000
START = 0
SAMPLE_SHAPE = (16384,)

def setup_inputs(seed: int = 0) -> dict:
    # 'key' in input_specs is a scalar int seed; here we materialize the actual PRNG key.
    key = jax.random.key(seed)
    return {"key": key}

def reference(key) -> jnp.ndarray:
    # Faithful translation of Discrete.sample: uniform integer sampling over [start, n).
    return jax.random.randint(key, shape=SAMPLE_SHAPE, minval=START, maxval=N)

if __name__ == "__main__":
    import jax
    _d = setup_inputs()
    print(jax.jit(kernel)(*tuple(_d.values())))

</pallas_src>

<mosaic_0001>
#map = affine_map<(d0, d1) -> (0)>
module attributes {stable_mosaic.version = 14 : i64} {
  func.func @_sc_body(%arg0: i32, %arg1: i32, %arg2: memref<2xi32, #tpu.memory_space<hbm>>, %arg3: memref<16384xi32, #tpu.memory_space<hbm>>, %arg4: memref<16xi32, #tpu.memory_space<vmem>>, %arg5: memref<512xi32, #tpu.memory_space<vmem>>) attributes {dimension_semantics = [#tpu.dimension_semantics<core_parallel>, #tpu.dimension_semantics<subcore_parallel>], iteration_bounds = array<i64: 2, 16>, scalar_prefetch = 0 : i64, scratch_operands = 2 : i64, tpu.core_type = #tpu.core_type<sc_vector_subcore>, window_params = [{transform_indices = #map}, {transform_indices = #map}]} {
    %mul3A = arith.constant 2 : i32
    %mul3A_0 = arith.muli %arg1, %mul3A : i32
    %add3A = arith.addi %mul3A_0, %arg0 : i32
    "tpu.region"() ({
      %run_scoped3A = tpu.sem_alloc : memref<!tpu.dma_semaphore, #tpu.memory_space<semaphore_mem>>
      %dma_start3A = arith.constant 0 : i32
      %dma_start3A_226 = tpu.memref_slice %arg4[%dma_start3A] : memref<16xi32, #tpu.memory_space<vmem>> -> memref<2xi32, #tpu.memory_space<vmem>>
      %dma_start3A_227 = arith.constant 0 : i32
      %dma_start3A_228 = tpu.memref_slice %arg4[%dma_start3A_227] : memref<16xi32, #tpu.memory_space<vmem>> -> memref<2xi32, #tpu.memory_space<vmem>>
      tpu.enqueue_dma source(%arg2 : memref<2xi32, #tpu.memory_space<hbm>>) target(%dma_start3A_228 : memref<2xi32, #tpu.memory_space<vmem>>) target_semaphore(%run_scoped3A : memref<!tpu.dma_semaphore, #tpu.memory_space<semaphore_mem>>)
      %dma_wait3A = arith.constant 0 : i32
      %dma_wait3A_229 = tpu.memref_slice %arg4[%dma_wait3A] : memref<16xi32, #tpu.memory_space<vmem>> -> memref<2xi32, #tpu.memory_space<vmem>>
      %dma_wait3A_230 = arith.constant 0 : i32
      %dma_wait3A_231 = tpu.memref_slice %arg4[%dma_wait3A_230] : memref<16xi32, #tpu.memory_space<vmem>> -> memref<2xi32, #tpu.memory_space<vmem>>
      tpu.wait_dma2 semaphore(%run_scoped3A : memref<!tpu.dma_semaphore, #tpu.memory_space<semaphore_mem>>) src(%arg2 : memref<2xi32, #tpu.memory_space<hbm>>) dst(%dma_wait3A_231 : memref<2xi32, #tpu.memory_space<vmem>>)
      tpu.yield
    }) : () -> ()
    %get3A = arith.constant 0 : index
    %get3A_1 = tpu.vector_load %arg4[%get3A] {strides = array<i32>} : memref<16xi32, #tpu.memory_space<vmem>>, vector<16xi32>,
    %get3A_2 = vector.shape_cast %get3A_1 : vector<16xi32> to vector<16xi32>
    %slice3A = vector.extract_strided_slice %get3A_2 {offsets = [0], sizes = [1], strides = [1]} : vector<16xi32> to vector<1xi32>
    %squeeze3A = vector.extract %slice3A[0] : i32 from vector<1xi32>
    %broadcast_in_dim3A = vector.broadcast %squeeze3A : i32 to vector<16xi32>
    %slice3A_3 = vector.extract_strided_slice %get3A_2 {offsets = [1], sizes = [1], strides = [1]} : vector<16xi32> to vector<1xi32>
    %squeeze3A_4 = vector.extract %slice3A_3[0] : i32 from vector<1xi32>
    %broadcast_in_dim3A_5 = vector.broadcast %squeeze3A_4 : i32 to vector<16xi32>
    %broadcast_in_dim3A_6 = arith.constant 0 : i32
    %broadcast_in_dim3A_7 = vector.broadcast %broadcast_in_dim3A_6 : i32 to vector<16xi32>
    %broadcast_in_dim3A_8 = arith.constant 1 : i32
    %broadcast_in_dim3A_9 = vector.broadcast %broadcast_in_dim3A_8 : i32 to vector<16xi32>
    %xor3A = arith.xori %broadcast_in_dim3A, %broadcast_in_dim3A_5 : vector<16xi32>
    %xor3A_10 = arith.constant 466688986 : i32
    %xor3A_11 = vector.broadcast %xor3A_10 : i32 to vector<16xi32>
    %xor3A_12 = arith.xori %xor3A, %xor3A_11 : vector<16xi32>
    %add3A_13 = arith.addi %broadcast_in_dim3A_7, %broadcast_in_dim3A : vector<16xi32>
    %add3A_14 = arith.addi %broadcast_in_dim3A_9, %broadcast_in_dim3A_5 : vector<16xi32>
    %add3A_15 = arith.addi %add3A_13, %add3A_14 : vector<16xi32>
    %shift_left3A = arith.constant 13 : i32
    %shift_left3A_16 = vector.broadcast %shift_left3A : i32 to vector<16xi32>
    %shift_left3A_17 = arith.shli %add3A_14, %shift_left3A_16 : vector<16xi32>
    %shift_right_logical3A = arith.constant 19 : i32
    %shift_right_logical3A_18 = vector.broadcast %shift_right_logical3A : i32 to vector<16xi32>
    %shift_right_logical3A_19 = arith.shrui %add3A_14, %shift_right_logical3A_18 : vector<16xi32>
    %or3A = arith.ori %shift_left3A_17, %shift_right_logical3A_19 : vector<16xi32>
    %xor3A_20 = arith.xori %or3A, %add3A_15 : vector<16xi32>
    %add3A_21 = arith.addi %add3A_15, %xor3A_20 : vector<16xi32>
    %shift_left3A_22 = arith.constant 15 : i32
    %shift_left3A_23 = vector.broadcast %shift_left3A_22 : i32 to vector<16xi32>
    %shift_left3A_24 = arith.shli %xor3A_20, %shift_left3A_23 : vector<16xi32>
    %shift_right_logical3A_25 = arith.constant 17 : i32
    %shift_right_logical3A_26 = vector.broadcast %shift_right_logical3A_25 : i32 to vector<16xi32>
    %shift_right_logical3A_27 = arith.shrui %xor3A_20, %shift_right_logical3A_26 : vector<16xi32>
    %or3A_28 = arith.ori %shift_left3A_24, %shift_right_logical3A_27 : vector<16xi32>
    %xor3A_29 = arith.xori %or3A_28, %add3A_21 : vector<16xi32>
    %add3A_30 = arith.addi %add3A_21, %xor3A_29 : vector<16xi32>
    %shift_left3A_31 = arith.constant 26 : i32
    %shift_left3A_32 = vector.broadcast %shift_left3A_31 : i32 to vector<16xi32>
    %shift_left3A_33 = arith.shli %xor3A_29, %shift_left3A_32 : vector<16xi32>
    %shift_right_logical3A_34 = arith.constant 6 : i32
    %shift_right_logical3A_35 = vector.broadcast %shift_right_logical3A_34 : i32 to vector<16xi32>
    %shift_right_logical3A_36 = arith.shrui %xor3A_29, %shift_right_logical3A_35 : vector<16xi32>
    %or3A_37 = arith.ori %shift_left3A_33, %shift_right_logical3A_36 : vector<16xi32>
    %xor3A_38 = arith.xori %or3A_37, %add3A_30 : vector<16xi32>
    %add3A_39 = arith.addi %add3A_30, %xor3A_38 : vector<16xi32>
    %shift_left3A_40 = arith.constant 6 : i32
    %shift_left3A_41 = vector.broadcast %shift_left3A_40 : i32 to vector<16xi32>
    %shift_left3A_42 = arith.shli %xor3A_38, %shift_left3A_41 : vector<16xi32>
    %shift_right_logical3A_43 = arith.constant 26 : i32
    %shift_right_logical3A_44 = vector.broadcast %shift_right_logical3A_43 : i32 to vector<16xi32>
    %shift_right_logical3A_45 = arith.shrui %xor3A_38, %shift_right_logical3A_44 : vector<16xi32>
    %or3A_46 = arith.ori %shift_left3A_42, %shift_right_logical3A_45 : vector<16xi32>
    %xor3A_47 = arith.xori %or3A_46, %add3A_39 : vector<16xi32>
    %add3A_48 = arith.addi %add3A_39, %broadcast_in_dim3A_5 : vector<16xi32>
    %add3A_49 = arith.addi %xor3A_47, %xor3A_12 : vector<16xi32>
    %add3A_50 = arith.constant 1 : i32
    %add3A_51 = vector.broadcast %add3A_50 : i32 to vector<16xi32>
    %add3A_52 = arith.addi %add3A_49, %add3A_51 : vector<16xi32>
    %add3A_53 = arith.addi %add3A_48, %add3A_52 : vector<16xi32>
    %shift_left3A_54 = arith.constant 17 : i32
    %shift_left3A_55 = vector.broadcast %shift_left3A_54 : i32 to vector<16xi32>
    %shift_left3A_56 = arith.shli %add3A_52, %shift_left3A_55 : vector<16xi32>
    %shift_right_logical3A_57 = arith.constant 15 : i32
    %shift_right_logical3A_58 = vector.broadcast %shift_right_logical3A_57 : i32 to vector<16xi32>
    %shift_right_logical3A_59 = arith.shrui %add3A_52, %shift_right_logical3A_58 : vector<16xi32>
    %or3A_60 = arith.ori %shift_left3A_56, %shift_right_logical3A_59 : vector<16xi32>
    %xor3A_61 = arith.xori %or3A_60, %add3A_53 : vector<16xi32>
    %add3A_62 = arith.addi %add3A_53, %xor3A_61 : vector<16xi32>
    %shift_left3A_63 = arith.constant 29 : i32
    %shift_left3A_64 = vector.broadcast %shift_left3A_63 : i32 to vector<16xi32>
    %shift_left3A_65 = arith.shli %xor3A_61, %shift_left3A_64 : vector<16xi32>
    %shift_right_logical3A_66 = arith.constant 3 : i32
    %shift_right_logical3A_67 = vector.broadcast %shift_right_logical3A_66 : i32 to vector<16xi32>
    %shift_right_logical3A_68 = arith.shrui %xor3A_61, %shift_right_logical3A_67 : vector<16xi32>
    %or3A_69 = arith.ori %shift_left3A_65, %shift_right_logical3A_68 : vector<16xi32>
    %xor3A_70 = arith.xori %or3A_69, %add3A_62 : vector<16xi32>
    %add3A_71 = arith.addi %add3A_62, %xor3A_70 : vector<16xi32>
    %shift_left3A_72 = arith.constant 16 : i32
    %shift_left3A_73 = vector.broadcast %shift_left3A_72 : i32 to vector<16xi32>
    %shift_left3A_74 = arith.shli %xor3A_70, %shift_left3A_73 : vector<16xi32>
    %shift_right_logical3A_75 = arith.constant 16 : i32
    %shift_right_logical3A_76 = vector.broadcast %shift_right_logical3A_75 : i32 to vector<16xi32>
    %shift_right_logical3A_77 = arith.shrui %xor3A_70, %shift_right_logical3A_76 : vector<16xi32>
    %or3A_78 = arith.ori %shift_left3A_74, %shift_right_logical3A_77 : vector<16xi32>
    %xor3A_79 = arith.xori %or3A_78, %add3A_71 : vector<16xi32>
    %add3A_80 = arith.addi %add3A_71, %xor3A_79 : vector<16xi32>
    %shift_left3A_81 = arith.constant 24 : i32
    %shift_left3A_82 = vector.broadcast %shift_left3A_81 : i32 to vector<16xi32>
    %shift_left3A_83 = arith.shli %xor3A_79, %shift_left3A_82 : vector<16xi32>
    %shift_right_logical3A_84 = arith.constant 8 : i32
    %shift_right_logical3A_85 = vector.broadcast %shift_right_logical3A_84 : i32 to vector<16xi32>
    %shift_right_logical3A_86 = arith.shrui %xor3A_79, %shift_right_logical3A_85 : vector<16xi32>
    %or3A_87 = arith.ori %shift_left3A_83, %shift_right_logical3A_86 : vector<16xi32>
    %xor3A_88 = arith.xori %or3A_87, %add3A_80 : vector<16xi32>
    %add3A_89 = arith.addi %add3A_80, %xor3A_12 : vector<16xi32>
    %add3A_90 = arith.addi %xor3A_88, %broadcast_in_dim3A : vector<16xi32>
    %add3A_91 = arith.constant 2 : i32
    %add3A_92 = vector.broadcast %add3A_91 : i32 to vector<16xi32>
    %add3A_93 = arith.addi %add3A_90, %add3A_92 : vector<16xi32>
    %add3A_94 = arith.addi %add3A_89, %add3A_93 : vector<16xi32>
    %shift_left3A_95 = arith.constant 13 : i32
    %shift_left3A_96 = vector.broadcast %shift_left3A_95 : i32 to vector<16xi32>
    %shift_left3A_97 = arith.shli %add3A_93, %shift_left3A_96 : vector<16xi32>
    %shift_right_logical3A_98 = arith.constant 19 : i32
    %shift_right_logical3A_99 = vector.broadcast %shift_right_logical3A_98 : i32 to vector<16xi32>
    %shift_right_logical3A_100 = arith.shrui %add3A_93, %shift_right_logical3A_99 : vector<16xi32>
    %or3A_101 = arith.ori %shift_left3A_97, %shift_right_logical3A_100 : vector<16xi32>
    %xor3A_102 = arith.xori %or3A_101, %add3A_94 : vector<16xi32>
    %add3A_103 = arith.addi %add3A_94, %xor3A_102 : vector<16xi32>
    %shift_left3A_104 = arith.constant 15 : i32
    %shift_left3A_105 = vector.broadcast %shift_left3A_104 : i32 to vector<16xi32>
    %shift_left3A_106 = arith.shli %xor3A_102, %shift_left3A_105 : vector<16xi32>
    %shift_right_logical3A_107 = arith.constant 17 : i32
    %shift_right_logical3A_108 = vector.broadcast %shift_right_logical3A_107 : i32 to vector<16xi32>
    %shift_right_logical3A_109 = arith.shrui %xor3A_102, %shift_right_logical3A_108 : vector<16xi32>
    %or3A_110 = arith.ori %shift_left3A_106, %shift_right_logical3A_109 : vector<16xi32>
    %xor3A_111 = arith.xori %or3A_110, %add3A_103 : vector<16xi32>
    %add3A_112 = arith.addi %add3A_103, %xor3A_111 : vector<16xi32>
    %shift_left3A_113 = arith.constant 26 : i32
    %shift_left3A_114 = vector.broadcast %shift_left3A_113 : i32 to vector<16xi32>
    %shift_left3A_115 = arith.shli %xor3A_111, %shift_left3A_114 : vector<16xi32>
    %shift_right_logical3A_116 = arith.constant 6 : i32
    %shift_right_logical3A_117 = vector.broadcast %shift_right_logical3A_116 : i32 to vector<16xi32>
    %shift_right_logical3A_118 = arith.shrui %xor3A_111, %shift_right_logical3A_117 : vector<16xi32>
    %or3A_119 = arith.ori %shift_left3A_115, %shift_right_logical3A_118 : vector<16xi32>
    %xor3A_120 = arith.xori %or3A_119, %add3A_112 : vector<16xi32>
    %add3A_121 = arith.addi %add3A_112, %xor3A_120 : vector<16xi32>
    %shift_left3A_122 = arith.constant 6 : i32
    %shift_left3A_123 = vector.broadcast %shift_left3A_122 : i32 to vector<16xi32>
    %shift_left3A_124 = arith.shli %xor3A_120, %shift_left3A_123 : vector<16xi32>
    %shift_right_logical3A_125 = arith.constant 26 : i32
    %shift_right_logical3A_126 = vector.broadcast %shift_right_logical3A_125 : i32 to vector<16xi32>
    %shift_right_logical3A_127 = arith.shrui %xor3A_120, %shift_right_logical3A_126 : vector<16xi32>
    %or3A_128 = arith.ori %shift_left3A_124, %shift_right_logical3A_127 : vector<16xi32>
    %xor3A_129 = arith.xori %or3A_128, %add3A_121 : vector<16xi32>
    %add3A_130 = arith.addi %add3A_121, %broadcast_in_dim3A : vector<16xi32>
    %add3A_131 = arith.addi %xor3A_129, %broadcast_in_dim3A_5 : vector<16xi32>
    %add3A_132 = arith.constant 3 : i32
    %add3A_133 = vector.broadcast %add3A_132 : i32 to vector<16xi32>
    %add3A_134 = arith.addi %add3A_131, %add3A_133 : vector<16xi32>
    %add3A_135 = arith.addi %add3A_130, %add3A_134 : vector<16xi32>
    %shift_left3A_136 = arith.constant 17 : i32
    %shift_left3A_137 = vector.broadcast %shift_left3A_136 : i32 to vector<16xi32>
    %shift_left3A_138 = arith.shli %add3A_134, %shift_left3A_137 : vector<16xi32>
    %shift_right_logical3A_139 = arith.constant 15 : i32
    %shift_right_logical3A_140 = vector.broadcast %shift_right_logical3A_139 : i32 to vector<16xi32>
    %shift_right_logical3A_141 = arith.shrui %add3A_134, %shift_right_logical3A_140 : vector<16xi32>
    %or3A_142 = arith.ori %shift_left3A_138, %shift_right_logical3A_141 : vector<16xi32>
    %xor3A_143 = arith.xori %or3A_142, %add3A_135 : vector<16xi32>
    %add3A_144 = arith.addi %add3A_135, %xor3A_143 : vector<16xi32>
    %shift_left3A_145 = arith.constant 29 : i32
    %shift_left3A_146 = vector.broadcast %shift_left3A_145 : i32 to vector<16xi32>
    %shift_left3A_147 = arith.shli %xor3A_143, %shift_left3A_146 : vector<16xi32>
    %shift_right_logical3A_148 = arith.constant 3 : i32
    %shift_right_logical3A_149 = vector.broadcast %shift_right_logical3A_148 : i32 to vector<16xi32>
    %shift_right_logical3A_150 = arith.shrui %xor3A_143, %shift_right_logical3A_149 : vector<16xi32>
    %or3A_151 = arith.ori %shift_left3A_147, %shift_right_logical3A_150 : vector<16xi32>
    %xor3A_152 = arith.xori %or3A_151, %add3A_144 : vector<16xi32>
    %add3A_153 = arith.addi %add3A_144, %xor3A_152 : vector<16xi32>
    %shift_left3A_154 = arith.constant 16 : i32
    %shift_left3A_155 = vector.broadcast %shift_left3A_154 : i32 to vector<16xi32>
    %shift_left3A_156 = arith.shli %xor3A_152, %shift_left3A_155 : vector<16xi32>
    %shift_right_logical3A_157 = arith.constant 16 : i32
    %shift_right_logical3A_158 = vector.broadcast %shift_right_logical3A_157 : i32 to vector<16xi32>
    %shift_right_logical3A_159 = arith.shrui %xor3A_152, %shift_right_logical3A_158 : vector<16xi32>
    %or3A_160 = arith.ori %shift_left3A_156, %shift_right_logical3A_159 : vector<16xi32>
    %xor3A_161 = arith.xori %or3A_160, %add3A_153 : vector<16xi32>
    %add3A_162 = arith.addi %add3A_153, %xor3A_161 : vector<16xi32>
    %shift_left3A_163 = arith.constant 24 : i32
    %shift_left3A_164 = vector.broadcast %shift_left3A_163 : i32 to vector<16xi32>
    %shift_left3A_165 = arith.shli %xor3A_161, %shift_left3A_164 : vector<16xi32>
    %shift_right_logical3A_166 = arith.constant 8 : i32
    %shift_right_logical3A_167 = vector.broadcast %shift_right_logical3A_166 : i32 to vector<16xi32>
    %shift_right_logical3A_168 = arith.shrui %xor3A_161, %shift_right_logical3A_167 : vector<16xi32>
    %or3A_169 = arith.ori %shift_left3A_165, %shift_right_logical3A_168 : vector<16xi32>
    %xor3A_170 = arith.xori %or3A_169, %add3A_162 : vector<16xi32>
    %add3A_171 = arith.addi %add3A_162, %broadcast_in_dim3A_5 : vector<16xi32>
    %add3A_172 = arith.addi %xor3A_170, %xor3A_12 : vector<16xi32>
    %add3A_173 = arith.constant 4 : i32
    %add3A_174 = vector.broadcast %add3A_173 : i32 to vector<16xi32>
    %add3A_175 = arith.addi %add3A_172, %add3A_174 : vector<16xi32>
    %add3A_176 = arith.addi %add3A_171, %add3A_175 : vector<16xi32>
    %shift_left3A_177 = arith.constant 13 : i32
    %shift_left3A_178 = vector.broadcast %shift_left3A_177 : i32 to vector<16xi32>
    %shift_left3A_179 = arith.shli %add3A_175, %shift_left3A_178 : vector<16xi32>
    %shift_right_logical3A_180 = arith.constant 19 : i32
    %shift_right_logical3A_181 = vector.broadcast %shift_right_logical3A_180 : i32 to vector<16xi32>
    %shift_right_logical3A_182 = arith.shrui %add3A_175, %shift_right_logical3A_181 : vector<16xi32>
    %or3A_183 = arith.ori %shift_left3A_179, %shift_right_logical3A_182 : vector<16xi32>
    %xor3A_184 = arith.xori %or3A_183, %add3A_176 : vector<16xi32>
    %add3A_185 = arith.addi %add3A_176, %xor3A_184 : vector<16xi32>
    %shift_left3A_186 = arith.constant 15 : i32
    %shift_left3A_187 = vector.broadcast %shift_left3A_186 : i32 to vector<16xi32>
    %shift_left3A_188 = arith.shli %xor3A_184, %shift_left3A_187 : vector<16xi32>
    %shift_right_logical3A_189 = arith.constant 17 : i32
    %shift_right_logical3A_190 = vector.broadcast %shift_right_logical3A_189 : i32 to vector<16xi32>
    %shift_right_logical3A_191 = arith.shrui %xor3A_184, %shift_right_logical3A_190 : vector<16xi32>
    %or3A_192 = arith.ori %shift_left3A_188, %shift_right_logical3A_191 : vector<16xi32>
    %xor3A_193 = arith.xori %or3A_192, %add3A_185 : vector<16xi32>
    %add3A_194 = arith.addi %add3A_185, %xor3A_193 : vector<16xi32>
    %shift_left3A_195 = arith.constant 26 : i32
    %shift_left3A_196 = vector.broadcast %shift_left3A_195 : i32 to vector<16xi32>
    %shift_left3A_197 = arith.shli %xor3A_193, %shift_left3A_196 : vector<16xi32>
    %shift_right_logical3A_198 = arith.constant 6 : i32
    %shift_right_logical3A_199 = vector.broadcast %shift_right_logical3A_198 : i32 to vector<16xi32>
    %shift_right_logical3A_200 = arith.shrui %xor3A_193, %shift_right_logical3A_199 : vector<16xi32>
    %or3A_201 = arith.ori %shift_left3A_197, %shift_right_logical3A_200 : vector<16xi32>
    %xor3A_202 = arith.xori %or3A_201, %add3A_194 : vector<16xi32>
    %add3A_203 = arith.addi %add3A_194, %xor3A_202 : vector<16xi32>
    %shift_left3A_204 = arith.constant 6 : i32
    %shift_left3A_205 = vector.broadcast %shift_left3A_204 : i32 to vector<16xi32>
    %shift_left3A_206 = arith.shli %xor3A_202, %shift_left3A_205 : vector<16xi32>
    %shift_right_logical3A_207 = arith.constant 26 : i32
    %shift_right_logical3A_208 = vector.broadcast %shift_right_logical3A_207 : i32 to vector<16xi32>
    %shift_right_logical3A_209 = arith.shrui %xor3A_202, %shift_right_logical3A_208 : vector<16xi32>
    %or3A_210 = arith.ori %shift_left3A_206, %shift_right_logical3A_209 : vector<16xi32>
    %xor3A_211 = arith.xori %or3A_210, %add3A_203 : vector<16xi32>
    %add3A_212 = arith.addi %add3A_203, %xor3A_12 : vector<16xi32>
    %add3A_213 = arith.addi %xor3A_211, %broadcast_in_dim3A : vector<16xi32>
    %add3A_214 = arith.constant 5 : i32
    %add3A_215 = vector.broadcast %add3A_214 : i32 to vector<16xi32>
    %add3A_216 = arith.addi %add3A_213, %add3A_215 : vector<16xi32>
    %mul3A_217 = arith.constant 512 : i32
    %mul3A_218 = arith.muli %add3A, %mul3A_217 : i32
    %iota3A = tpu.iota {dimensions = array<i32: 0>} : vector<16xi32>
    %scan3A = arith.constant 0 : i32
    %scan3A_219 = arith.constant 0 : i32
    %scan3A_220 = arith.constant 32 : i32
    %scan3A_221 = arith.addi %scan3A_219, %scan3A_220 : i32
    %scan3A_222 = arith.constant 1 : i32
    scf.for %scan3A_226 = %scan3A_219 to %scan3A_221 step %scan3A_222  : i32 {
      %add3A_227 = vector.broadcast %mul3A_218 : i32 to vector<16xi32>
      %add3A_228 = arith.addi %iota3A, %add3A_227 : vector<16xi32>
      %mul3A_229 = arith.constant 16 : i32
      %mul3A_230 = arith.muli %scan3A_226, %mul3A_229 : i32
      %add3A_231 = vector.broadcast %mul3A_230 : i32 to vector<16xi32>
      %add3A_232 = arith.addi %add3A_228, %add3A_231 : vector<16xi32>
      %xor3A_233 = arith.xori %add3A_212, %add3A_216 : vector<16xi32>
      %xor3A_234 = arith.constant 466688986 : i32
      %xor3A_235 = vector.broadcast %xor3A_234 : i32 to vector<16xi32>
      %xor3A_236 = arith.xori %xor3A_233, %xor3A_235 : vector<16xi32>
      %add3A_237 = arith.addi %broadcast_in_dim3A_7, %add3A_212 : vector<16xi32>
      %add3A_238 = arith.addi %add3A_232, %add3A_216 : vector<16xi32>
      %add3A_239 = arith.addi %add3A_237, %add3A_238 : vector<16xi32>
      %shift_left3A_240 = arith.constant 13 : i32
      %shift_left3A_241 = vector.broadcast %shift_left3A_240 : i32 to vector<16xi32>
      %shift_left3A_242 = arith.shli %add3A_238, %shift_left3A_241 : vector<16xi32>
      %shift_right_logical3A_243 = arith.constant 19 : i32
      %shift_right_logical3A_244 = vector.broadcast %shift_right_logical3A_243 : i32 to vector<16xi32>
      %shift_right_logical3A_245 = arith.shrui %add3A_238, %shift_right_logical3A_244 : vector<16xi32>
      %or3A_246 = arith.ori %shift_left3A_242, %shift_right_logical3A_245 : vector<16xi32>
      %xor3A_247 = arith.xori %or3A_246, %add3A_239 : vector<16xi32>
      %add3A_248 = arith.addi %add3A_239, %xor3A_247 : vector<16xi32>
      %shift_left3A_249 = arith.constant 15 : i32
      %shift_left3A_250 = vector.broadcast %shift_left3A_249 : i32 to vector<16xi32>
      %shift_left3A_251 = arith.shli %xor3A_247, %shift_left3A_250 : vector<16xi32>
      %shift_right_logical3A_252 = arith.constant 17 : i32
      %shift_right_logical3A_253 = vector.broadcast %shift_right_logical3A_252 : i32 to vector<16xi32>
      %shift_right_logical3A_254 = arith.shrui %xor3A_247, %shift_right_logical3A_253 : vector<16xi32>
      %or3A_255 = arith.ori %shift_left3A_251, %shift_right_logical3A_254 : vector<16xi32>
      %xor3A_256 = arith.xori %or3A_255, %add3A_248 : vector<16xi32>
      %add3A_257 = arith.addi %add3A_248, %xor3A_256 : vector<16xi32>
      %shift_left3A_258 = arith.constant 26 : i32
      %shift_left3A_259 = vector.broadcast %shift_left3A_258 : i32 to vector<16xi32>
      %shift_left3A_260 = arith.shli %xor3A_256, %shift_left3A_259 : vector<16xi32>
      %shift_right_logical3A_261 = arith.constant 6 : i32
      %shift_right_logical3A_262 = vector.broadcast %shift_right_logical3A_261 : i32 to vector<16xi32>
      %shift_right_logical3A_263 = arith.shrui %xor3A_256, %shift_right_logical3A_262 : vector<16xi32>
      %or3A_264 = arith.ori %shift_left3A_260, %shift_right_logical3A_263 : vector<16xi32>
      %xor3A_265 = arith.xori %or3A_264, %add3A_257 : vector<16xi32>
      %add3A_266 = arith.addi %add3A_257, %xor3A_265 : vector<16xi32>
      %shift_left3A_267 = arith.constant 6 : i32
      %shift_left3A_268 = vector.broadcast %shift_left3A_267 : i32 to vector<16xi32>
      %shift_left3A_269 = arith.shli %xor3A_265, %shift_left3A_268 : vector<16xi32>
      %shift_right_logical3A_270 = arith.constant 26 : i32
      %shift_right_logical3A_271 = vector.broadcast %shift_right_logical3A_270 : i32 to vector<16xi32>
      %shift_right_logical3A_272 = arith.shrui %xor3A_265, %shift_right_logical3A_271 : vector<16xi32>
      %or3A_273 = arith.ori %shift_left3A_269, %shift_right_logical3A_272 : vector<16xi32>
      %xor3A_274 = arith.xori %or3A_273, %add3A_266 : vector<16xi32>
      %add3A_275 = arith.addi %add3A_266, %add3A_216 : vector<16xi32>
      %add3A_276 = arith.addi %xor3A_274, %xor3A_236 : vector<16xi32>
      %add3A_277 = arith.constant 1 : i32
      %add3A_278 = vector.broadcast %add3A_277 : i32 to vector<16xi32>
      %add3A_279 = arith.addi %add3A_276, %add3A_278 : vector<16xi32>
      %add3A_280 = arith.addi %add3A_275, %add3A_279 : vector<16xi32>
      %shift_left3A_281 = arith.constant 17 : i32
      %shift_left3A_282 = vector.broadcast %shift_left3A_281 : i32 to vector<16xi32>
      %shift_left3A_283 = arith.shli %add3A_279, %shift_left3A_282 : vector<16xi32>
      %shift_right_logical3A_284 = arith.constant 15 : i32
      %shift_right_logical3A_285 = vector.broadcast %shift_right_logical3A_284 : i32 to vector<16xi32>
      %shift_right_logical3A_286 = arith.shrui %add3A_279, %shift_right_logical3A_285 : vector<16xi32>
      %or3A_287 = arith.ori %shift_left3A_283, %shift_right_logical3A_286 : vector<16xi32>
      %xor3A_288 = arith.xori %or3A_287, %add3A_280 : vector<16xi32>
      %add3A_289 = arith.addi %add3A_280, %xor3A_288 : vector<16xi32>
      %shift_left3A_290 = arith.constant 29 : i32
      %shift_left3A_291 = vector.broadcast %shift_left3A_290 : i32 to vector<16xi32>
      %shift_left3A_292 = arith.shli %xor3A_288, %shift_left3A_291 : vector<16xi32>
      %shift_right_logical3A_293 = arith.constant 3 : i32
      %shift_right_logical3A_294 = vector.broadcast %shift_right_logical3A_293 : i32 to vector<16xi32>
      %shift_right_logical3A_295 = arith.shrui %xor3A_288, %shift_right_logical3A_294 : vector<16xi32>
      %or3A_296 = arith.ori %shift_left3A_292, %shift_right_logical3A_295 : vector<16xi32>
      %xor3A_297 = arith.xori %or3A_296, %add3A_289 : vector<16xi32>
      %add3A_298 = arith.addi %add3A_289, %xor3A_297 : vector<16xi32>
      %shift_left3A_299 = arith.constant 16 : i32
      %shift_left3A_300 = vector.broadcast %shift_left3A_299 : i32 to vector<16xi32>
      %shift_left3A_301 = arith.shli %xor3A_297, %shift_left3A_300 : vector<16xi32>
      %shift_right_logical3A_302 = arith.constant 16 : i32
      %shift_right_logical3A_303 = vector.broadcast %shift_right_logical3A_302 : i32 to vector<16xi32>
      %shift_right_logical3A_304 = arith.shrui %xor3A_297, %shift_right_logical3A_303 : vector<16xi32>
      %or3A_305 = arith.ori %shift_left3A_301, %shift_right_logical3A_304 : vector<16xi32>
      %xor3A_306 = arith.xori %or3A_305, %add3A_298 : vector<16xi32>
      %add3A_307 = arith.addi %add3A_298, %xor3A_306 : vector<16xi32>
      %shift_left3A_308 = arith.constant 24 : i32
      %shift_left3A_309 = vector.broadcast %shift_left3A_308 : i32 to vector<16xi32>
      %shift_left3A_310 = arith.shli %xor3A_306, %shift_left3A_309 : vector<16xi32>
      %shift_right_logical3A_311 = arith.constant 8 : i32
      %shift_right_logical3A_312 = vector.broadcast %shift_right_logical3A_311 : i32 to vector<16xi32>
      %shift_right_logical3A_313 = arith.shrui %xor3A_306, %shift_right_logical3A_312 : vector<16xi32>
      %or3A_314 = arith.ori %shift_left3A_310, %shift_right_logical3A_313 : vector<16xi32>
      %xor3A_315 = arith.xori %or3A_314, %add3A_307 : vector<16xi32>
      %add3A_316 = arith.addi %add3A_307, %xor3A_236 : vector<16xi32>
      %add3A_317 = arith.addi %xor3A_315, %add3A_212 : vector<16xi32>
      %add3A_318 = arith.constant 2 : i32
      %add3A_319 = vector.broadcast %add3A_318 : i32 to vector<16xi32>
      %add3A_320 = arith.addi %add3A_317, %add3A_319 : vector<16xi32>
      %add3A_321 = arith.addi %add3A_316, %add3A_320 : vector<16xi32>
      %shift_left3A_322 = arith.constant 13 : i32
      %shift_left3A_323 = vector.broadcast %shift_left3A_322 : i32 to vector<16xi32>
      %shift_left3A_324 = arith.shli %add3A_320, %shift_left3A_323 : vector<16xi32>
      %shift_right_logical3A_325 = arith.constant 19 : i32
      %shift_right_logical3A_326 = vector.broadcast %shift_right_logical3A_325 : i32 to vector<16xi32>
      %shift_right_logical3A_327 = arith.shrui %add3A_320, %shift_right_logical3A_326 : vector<16xi32>
      %or3A_328 = arith.ori %shift_left3A_324, %shift_right_logical3A_327 : vector<16xi32>
      %xor3A_329 = arith.xori %or3A_328, %add3A_321 : vector<16xi32>
      %add3A_330 = arith.addi %add3A_321, %xor3A_329 : vector<16xi32>
      %shift_left3A_331 = arith.constant 15 : i32
      %shift_left3A_332 = vector.broadcast %shift_left3A_331 : i32 to vector<16xi32>
      %shift_left3A_333 = arith.shli %xor3A_329, %shift_left3A_332 : vector<16xi32>
      %shift_right_logical3A_334 = arith.constant 17 : i32
      %shift_right_logical3A_335 = vector.broadcast %shift_right_logical3A_334 : i32 to vector<16xi32>
      %shift_right_logical3A_336 = arith.shrui %xor3A_329, %shift_right_logical3A_335 : vector<16xi32>
      %or3A_337 = arith.ori %shift_left3A_333, %shift_right_logical3A_336 : vector<16xi32>
      %xor3A_338 = arith.xori %or3A_337, %add3A_330 : vector<16xi32>
      %add3A_339 = arith.addi %add3A_330, %xor3A_338 : vector<16xi32>
      %shift_left3A_340 = arith.constant 26 : i32
      %shift_left3A_341 = vector.broadcast %shift_left3A_340 : i32 to vector<16xi32>
      %shift_left3A_342 = arith.shli %xor3A_338, %shift_left3A_341 : vector<16xi32>
      %shift_right_logical3A_343 = arith.constant 6 : i32
      %shift_right_logical3A_344 = vector.broadcast %shift_right_logical3A_343 : i32 to vector<16xi32>
      %shift_right_logical3A_345 = arith.shrui %xor3A_338, %shift_right_logical3A_344 : vector<16xi32>
      %or3A_346 = arith.ori %shift_left3A_342, %shift_right_logical3A_345 : vector<16xi32>
      %xor3A_347 = arith.xori %or3A_346, %add3A_339 : vector<16xi32>
      %add3A_348 = arith.addi %add3A_339, %xor3A_347 : vector<16xi32>
      %shift_left3A_349 = arith.constant 6 : i32
      %shift_left3A_350 = vector.broadcast %shift_left3A_349 : i32 to vector<16xi32>
      %shift_left3A_351 = arith.shli %xor3A_347, %shift_left3A_350 : vector<16xi32>
      %shift_right_logical3A_352 = arith.constant 26 : i32
      %shift_right_logical3A_353 = vector.broadcast %shift_right_logical3A_352 : i32 to vector<16xi32>
      %shift_right_logical3A_354 = arith.shrui %xor3A_347, %shift_right_logical3A_353 : vector<16xi32>
      %or3A_355 = arith.ori %shift_left3A_351, %shift_right_logical3A_354 : vector<16xi32>
      %xor3A_356 = arith.xori %or3A_355, %add3A_348 : vector<16xi32>
      %add3A_357 = arith.addi %add3A_348, %add3A_212 : vector<16xi32>
      %add3A_358 = arith.addi %xor3A_356, %add3A_216 : vector<16xi32>
      %add3A_359 = arith.constant 3 : i32
      %add3A_360 = vector.broadcast %add3A_359 : i32 to vector<16xi32>
      %add3A_361 = arith.addi %add3A_358, %add3A_360 : vector<16xi32>
      %add3A_362 = arith.addi %add3A_357, %add3A_361 : vector<16xi32>
      %shift_left3A_363 = arith.constant 17 : i32
      %shift_left3A_364 = vector.broadcast %shift_left3A_363 : i32 to vector<16xi32>
      %shift_left3A_365 = arith.shli %add3A_361, %shift_left3A_364 : vector<16xi32>
      %shift_right_logical3A_366 = arith.constant 15 : i32
      %shift_right_logical3A_367 = vector.broadcast %shift_right_logical3A_366 : i32 to vector<16xi32>
      %shift_right_logical3A_368 = arith.shrui %add3A_361, %shift_right_logical3A_367 : vector<16xi32>
      %or3A_369 = arith.ori %shift_left3A_365, %shift_right_logical3A_368 : vector<16xi32>
      %xor3A_370 = arith.xori %or3A_369, %add3A_362 : vector<16xi32>
      %add3A_371 = arith.addi %add3A_362, %xor3A_370 : vector<16xi32>
      %shift_left3A_372 = arith.constant 29 : i32
      %shift_left3A_373 = vector.broadcast %shift_left3A_372 : i32 to vector<16xi32>
      %shift_left3A_374 = arith.shli %xor3A_370, %shift_left3A_373 : vector<16xi32>
      %shift_right_logical3A_375 = arith.constant 3 : i32
      %shift_right_logical3A_376 = vector.broadcast %shift_right_logical3A_375 : i32 to vector<16xi32>
      %shift_right_logical3A_377 = arith.shrui %xor3A_370, %shift_right_logical3A_376 : vector<16xi32>
      %or3A_378 = arith.ori %shift_left3A_374, %shift_right_logical3A_377 : vector<16xi32>
      %xor3A_379 = arith.xori %or3A_378, %add3A_371 : vector<16xi32>
      %add3A_380 = arith.addi %add3A_371, %xor3A_379 : vector<16xi32>
      %shift_left3A_381 = arith.constant 16 : i32
      %shift_left3A_382 = vector.broadcast %shift_left3A_381 : i32 to vector<16xi32>
      %shift_left3A_383 = arith.shli %xor3A_379, %shift_left3A_382 : vector<16xi32>
      %shift_right_logical3A_384 = arith.constant 16 : i32
      %shift_right_logical3A_385 = vector.broadcast %shift_right_logical3A_384 : i32 to vector<16xi32>
      %shift_right_logical3A_386 = arith.shrui %xor3A_379, %shift_right_logical3A_385 : vector<16xi32>
      %or3A_387 = arith.ori %shift_left3A_383, %shift_right_logical3A_386 : vector<16xi32>
      %xor3A_388 = arith.xori %or3A_387, %add3A_380 : vector<16xi32>
      %add3A_389 = arith.addi %add3A_380, %xor3A_388 : vector<16xi32>
      %shift_left3A_390 = arith.constant 24 : i32
      %shift_left3A_391 = vector.broadcast %shift_left3A_390 : i32 to vector<16xi32>
      %shift_left3A_392 = arith.shli %xor3A_388, %shift_left3A_391 : vector<16xi32>
      %shift_right_logical3A_393 = arith.constant 8 : i32
      %shift_right_logical3A_394 = vector.broadcast %shift_right_logical3A_393 : i32 to vector<16xi32>
      %shift_right_logical3A_395 = arith.shrui %xor3A_388, %shift_right_logical3A_394 : vector<16xi32>
      %or3A_396 = arith.ori %shift_left3A_392, %shift_right_logical3A_395 : vector<16xi32>
      %xor3A_397 = arith.xori %or3A_396, %add3A_389 : vector<16xi32>
      %add3A_398 = arith.addi %add3A_389, %add3A_216 : vector<16xi32>
      %add3A_399 = arith.addi %xor3A_397, %xor3A_236 : vector<16xi32>
      %add3A_400 = arith.constant 4 : i32
      %add3A_401 = vector.broadcast %add3A_400 : i32 to vector<16xi32>
      %add3A_402 = arith.addi %add3A_399, %add3A_401 : vector<16xi32>
      %add3A_403 = arith.addi %add3A_398, %add3A_402 : vector<16xi32>
      %shift_left3A_404 = arith.constant 13 : i32
      %shift_left3A_405 = vector.broadcast %shift_left3A_404 : i32 to vector<16xi32>
      %shift_left3A_406 = arith.shli %add3A_402, %shift_left3A_405 : vector<16xi32>
      %shift_right_logical3A_407 = arith.constant 19 : i32
      %shift_right_logical3A_408 = vector.broadcast %shift_right_logical3A_407 : i32 to vector<16xi32>
      %shift_right_logical3A_409 = arith.shrui %add3A_402, %shift_right_logical3A_408 : vector<16xi32>
      %or3A_410 = arith.ori %shift_left3A_406, %shift_right_logical3A_409 : vector<16xi32>
      %xor3A_411 = arith.xori %or3A_410, %add3A_403 : vector<16xi32>
      %add3A_412 = arith.addi %add3A_403, %xor3A_411 : vector<16xi32>
      %shift_left3A_413 = arith.constant 15 : i32
      %shift_left3A_414 = vector.broadcast %shift_left3A_413 : i32 to vector<16xi32>
      %shift_left3A_415 = arith.shli %xor3A_411, %shift_left3A_414 : vector<16xi32>
      %shift_right_logical3A_416 = arith.constant 17 : i32
      %shift_right_logical3A_417 = vector.broadcast %shift_right_logical3A_416 : i32 to vector<16xi32>
      %shift_right_logical3A_418 = arith.shrui %xor3A_411, %shift_right_logical3A_417 : vector<16xi32>
      %or3A_419 = arith.ori %shift_left3A_415, %shift_right_logical3A_418 : vector<16xi32>
      %xor3A_420 = arith.xori %or3A_419, %add3A_412 : vector<16xi32>
      %add3A_421 = arith.addi %add3A_412, %xor3A_420 : vector<16xi32>
      %shift_left3A_422 = arith.constant 26 : i32
      %shift_left3A_423 = vector.broadcast %shift_left3A_422 : i32 to vector<16xi32>
      %shift_left3A_424 = arith.shli %xor3A_420, %shift_left3A_423 : vector<16xi32>
      %shift_right_logical3A_425 = arith.constant 6 : i32
      %shift_right_logical3A_426 = vector.broadcast %shift_right_logical3A_425 : i32 to vector<16xi32>
      %shift_right_logical3A_427 = arith.shrui %xor3A_420, %shift_right_logical3A_426 : vector<16xi32>
      %or3A_428 = arith.ori %shift_left3A_424, %shift_right_logical3A_427 : vector<16xi32>
      %xor3A_429 = arith.xori %or3A_428, %add3A_421 : vector<16xi32>
      %add3A_430 = arith.addi %add3A_421, %xor3A_429 : vector<16xi32>
      %shift_left3A_431 = arith.constant 6 : i32
      %shift_left3A_432 = vector.broadcast %shift_left3A_431 : i32 to vector<16xi32>
      %shift_left3A_433 = arith.shli %xor3A_429, %shift_left3A_432 : vector<16xi32>
      %shift_right_logical3A_434 = arith.constant 26 : i32
      %shift_right_logical3A_435 = vector.broadcast %shift_right_logical3A_434 : i32 to vector<16xi32>
      %shift_right_logical3A_436 = arith.shrui %xor3A_429, %shift_right_logical3A_435 : vector<16xi32>
      %or3A_437 = arith.ori %shift_left3A_433, %shift_right_logical3A_436 : vector<16xi32>
      %xor3A_438 = arith.xori %or3A_437, %add3A_430 : vector<16xi32>
      %add3A_439 = arith.addi %add3A_430, %xor3A_236 : vector<16xi32>
      %add3A_440 = arith.addi %xor3A_438, %add3A_212 : vector<16xi32>
      %add3A_441 = arith.constant 5 : i32
      %add3A_442 = vector.broadcast %add3A_441 : i32 to vector<16xi32>
      %add3A_443 = arith.addi %add3A_440, %add3A_442 : vector<16xi32>
      %xor3A_444 = arith.xori %add3A_439, %add3A_443 : vector<16xi32>
      %convert_element_type3A = arith.uitofp %xor3A_444 : vector<16xi32> to vector<16xf32>
      %mul3A_445 = arith.constant 9.99999997E-7 : f32
      %mul3A_446 = vector.broadcast %mul3A_445 : f32 to vector<16xf32>
      %mul3A_447 = arith.mulf %convert_element_type3A, %mul3A_446 : vector<16xf32>
      %convert_element_type3A_448 = arith.fptosi %mul3A_447 : vector<16xf32> to vector<16xi32>
      %mul3A_449 = arith.constant 1000000 : i32
      %mul3A_450 = vector.broadcast %mul3A_449 : i32 to vector<16xi32>
      %mul3A_451 = arith.muli %convert_element_type3A_448, %mul3A_450 : vector<16xi32>
      %sub3A = arith.subi %xor3A_444, %mul3A_451 : vector<16xi32>
      %lt3A = arith.constant 0 : i32
      %lt3A_452 = vector.broadcast %lt3A : i32 to vector<16xi32>
      %lt3A_453 = arith.cmpi slt, %sub3A, %lt3A_452 : vector<16xi32>
      %add3A_454 = arith.constant 1000000 : i32
      %add3A_455 = vector.broadcast %add3A_454 : i32 to vector<16xi32>
      %add3A_456 = arith.addi %sub3A, %add3A_455 : vector<16xi32>
      %select_n3A = arith.select %lt3A_453, %add3A_456, %sub3A : vector<16xi1>, vector<16xi32>
      %ge3A = arith.constant 1000000 : i32
      %ge3A_457 = vector.broadcast %ge3A : i32 to vector<16xi32>
      %ge3A_458 = arith.cmpi sge, %select_n3A, %ge3A_457 : vector<16xi32>
      %sub3A_459 = arith.constant 1000000 : i32
      %sub3A_460 = vector.broadcast %sub3A_459 : i32 to vector<16xi32>
      %sub3A_461 = arith.subi %select_n3A, %sub3A_460 : vector<16xi32>
      %select_n3A_462 = arith.select %ge3A_458, %sub3A_461, %select_n3A : vector<16xi1>, vector<16xi32>
      %mul3A_463 = arith.constant 16 : i32
      %mul3A_464 = arith.muli %scan3A_226, %mul3A_463 : i32
      %swap3A = arith.index_cast %mul3A_464 : i32 to index
      %swap3A_465 = tpu.vector_load %arg5[%swap3A] {strides = array<i32>} : memref<512xi32, #tpu.memory_space<vmem>>, vector<16xi32>,
      %swap3A_466 = vector.shape_cast %swap3A_465 : vector<16xi32> to vector<16xi32>
      %swap3A_467 = vector.shape_cast %select_n3A_462 : vector<16xi32> to vector<16xi32>
      tpu.vector_store %arg5[%swap3A], %swap3A_467 {strides = array<i32>} : memref<512xi32, #tpu.memory_space<vmem>>, vector<16xi32>,
    }
    %scan3A_223 = arith.constant 32 : i32
    %mul3A_224 = arith.constant 512 : i32
    %mul3A_225 = arith.muli %add3A, %mul3A_224 : i32
    "tpu.region"() ({
      %run_scoped3A = tpu.sem_alloc : memref<!tpu.dma_semaphore, #tpu.memory_space<semaphore_mem>>
      %dma_start3A = tpu.memref_slice %arg3[%mul3A_225] : memref<16384xi32, #tpu.memory_space<hbm>> -> memref<512xi32, #tpu.memory_space<hbm>>
      %dma_start3A_226 = tpu.memref_slice %arg3[%mul3A_225] : memref<16384xi32, #tpu.memory_space<hbm>> -> memref<512xi32, #tpu.memory_space<hbm>>
      tpu.enqueue_dma source(%arg5 : memref<512xi32, #tpu.memory_space<vmem>>) target(%dma_start3A_226 : memref<512xi32, #tpu.memory_space<hbm>>) target_semaphore(%run_scoped3A : memref<!tpu.dma_semaphore, #tpu.memory_space<semaphore_mem>>)
      %dma_wait3A = tpu.memref_slice %arg3[%mul3A_225] : memref<16384xi32, #tpu.memory_space<hbm>> -> memref<512xi32, #tpu.memory_space<hbm>>
      %dma_wait3A_227 = tpu.memref_slice %arg3[%mul3A_225] : memref<16384xi32, #tpu.memory_space<hbm>> -> memref<512xi32, #tpu.memory_space<hbm>>
      tpu.wait_dma2 semaphore(%run_scoped3A : memref<!tpu.dma_semaphore, #tpu.memory_space<semaphore_mem>>) src(%arg5 : memref<512xi32, #tpu.memory_space<vmem>>) dst(%dma_wait3A_227 : memref<512xi32, #tpu.memory_space<hbm>>)
      tpu.yield
    }) : () -> ()
    return
  }
}

</mosaic_0001>

<sc_bundles>
// kernel: _sample.3.cloned.1.call-start
scs
__scs_entry_jumppad:
0x0: {  	(pc) =	sbr.rel $0x88, $3  }
0x1: {  	(tag) =	ssettag $0x0;
	lr =	simm.s32 $0x1  }
0x2: {  	[smem:$0x3FA0] =	sst lr;
	_ =	strace $0xD0000000  }
0x3: {  	_ = 	snop  }
0x4: {  	_ = 	snop  }
0x5: {  	_ = 	snop  }
0x6: {  	_ = 	snop  }
0x7: {  	_ = 	snop  }
__scs_overlays_trampoline_lowered:
0x8: {  	[smem:$0x3FAF] =	sst s0  }
0x9: {  	[smem:$0x3FB0] =	sst s1  }
0xa: {  	[smem:$0x3FB1] =	sst s2  }
0xb: {  	[smem:$0x3FB2] =	sst s3  }
0xc: {  	[smem:$0x3FB3] =	sst s4  }
0xd: {  	[smem:$0x3FB4] =	sst s5  }
0xe: {  	[smem:$0x3FB5] =	sst s6  }
0xf: {  	[smem:$0x3FB6] =	sst s7  }
0x10: {  	[smem:$0x3FB7] =	sst s8  }
0x11: {  	[smem:$0x3FB8] =	sst s9;
	s0 =	simm.s32 @!p0 $0x0  }
0x12: {  	s1 =	sld [smem:$0x3F9E];
	s0 =	simm.s32 @p0 $0x1  }
0x13: {  	[smem:$0x3FB9] =	sst s0;
	s0 =	simm.s32 @!p1 $0x0  }
0x14: {  	s2 =	sld [smem:$0x3F9D];
	s0 =	simm.s32 @p1 $0x1  }
0x15: {  	[smem:$0x3FBA] =	sst s0;
	s0 =	simm.s32 @!p2 $0x0  }
0x16: {  	s3 =	sld [smem:$0x3FDB];
	s0 =	simm.s32 @p2 $0x1  }
0x17: {  	s4 =	simm.s32 $0x1BF5;
	[smem:$0x3FBC] =	sst s0  }
0x18: {  	s0 =	sld [smem:$0x3F9F];
	_ =	swait.ge [sflag:s4], $0x0  }
0x19: {  	s7 =	sld [smem:$0x3FA0]  }
0x1a: {  	s8 =	sadd.s32 $0xFFFFE003, lr  }
0x1b: {  	s9 =	sadd.s32 $0xFFFFFEF7, lr;
	s5 =	simm.s32 $0xFFFFFFFF;
	p2 =	slt.u32 s8, $0xFFFFF086  }
0x1c: {  	p1 =	slt.u32 s9, $0xF7A;
	s5 =	simm.s32 @!p2 $0x0  }
0x1d: {  	s5 =	simm.s32 @p1 $0x1;
	p0 =	seq.s32 s7, s2  }
0x1e: {  	s7 =	smul.u32 @!p0 $0xF7A, s2;
	p2 =	seq.s32 @!p0 s5, $0x0  }
0x1f: {  	s9 =	smul.u32 $0xF7A, s1;
	s8 =	simm.s32 @!p0 $0x1BF5;
	p2 =	por !p2, p0  }
0x20: {  	[sflag:s8] =	ssyncset.s32 @!p0 $0xFFFFF086;
	s6 =	sadd.s32 @!p0 s3, s7;
	s7 =	simm.s32 @!p0 $0x108  }
0x21: {  	s3 =	sadd.s32 s3, s9;
	s6 =	sadd.s32 @!p0 $0x88, s6;
	s7 =	simm.s32 @p2 $0x1082  }
0x22: {  	[simem:s7], [sflag:s8] =	dma.local @!p0 [hbm:s6], $0xF7A  }
0x23: {  	s9 =	sor.u32 $0xD0000000, s2;
	s6 =	simm.s32 $0x108;
	_ =	swait.ge @!p0 [sflag:s8], $0x0  }
0x24: {  	s3 =	sadd.s32 $0x88, s3;
	s6 =	simm.s32 @!p1 $0x1082;
	[sflag:s4] =	ssyncset.s32 $0xFFFFF086  }
0x25: {  	[simem:s6], [sflag:s4] =	dma.local [hbm:s3], $0xF7A  }
0x26: {  	[smem:$0x3FA0] =	sst s1;
	(tag) =	ssettag s2;
	_ =	strace s9  }
0x27: {  	s1 =	sld [smem:$0x3FB0]  }
0x28: {  	s2 =	sld [smem:$0x3FB1]  }
0x29: {  	s4 =	sld [smem:$0x3FB3]  }
0x2a: {  	p0 =	seq.s32 s5, $0x0;
	s5 =	sld [smem:$0x3FB4]  }
0x2b: {  	s6 =	sld [smem:$0x3FB5]  }
0x2c: {  	s7 =	sld [smem:$0x3FB6]  }
0x2d: {  	s3 =	simm.s32 $0x108;
	s8 =	sld [smem:$0x3FB7]  }
0x2e: {  	s3 =	simm.s32 @!p0 $0x1082;
	s9 =	sld [smem:$0x3FB8]  }
0x2f: {  	lr =	sadd.s32 s0, s3;
	s0 =	sld [smem:$0x3FAF]  }
0x30: {  	s3 =	sld [smem:$0x3FB2]  }
0x31: {  	[smem:$0x3FBB] =	sst s10  }
0x32: {  	s10 =	sld [smem:$0x3FB9];
	_ =	sdelay $0x3  }
0x33: {  	p0 =	seq.s32 s10, $0x1;
	s10 =	sld [smem:$0x3FBB];
	_ =	sdelay $0x3  }
0x34: {  	[smem:$0x3FBB] =	sst s10  }
0x35: {  	s10 =	sld [smem:$0x3FBA];
	_ =	sdelay $0x3  }
0x36: {  	p1 =	seq.s32 s10, $0x1;
	s10 =	sld [smem:$0x3FBB];
	_ =	sdelay $0x3  }
0x37: {  	[smem:$0x3FBB] =	sst s10  }
0x38: {  	s10 =	sld [smem:$0x3FBC]  }
0x39: {  	_ = 	snop;
	(pc) =	sbr.ind lr, $3  }
0x3a: {  	_ = 	snop  }
0x3b: {  	_ = 	snop  }
0x3c: {  	p2 =	seq.s32 s10, $0x1;
	s10 =	sld [smem:$0x3FBB]  }
0x3d: {  	_ =	shalt  }
0x3e: {  	_ =	shalt  }
0x3f: {  	_ =	shalt  }
0x40: {  	_ =	shalt  }
0x41: {  	_ =	shalt  }
0x42: {  	_ =	shalt  }
0x43: {  	_ =	shalt  }
0x44: {  	_ =	shalt  }
0x45: {  	_ =	shalt  }
0x46: {  	_ =	shalt  }
0x47: {  	_ =	shalt  }
0x48: {  	_ =	shalt  }
0x49: {  	_ =	shalt  }
0x4a: {  	_ =	shalt  }
0x4b: {  	_ =	shalt  }
0x4c: {  	_ =	shalt  }
0x4d: {  	_ =	shalt  }
0x4e: {  	_ =	shalt  }
0x4f: {  	_ =	shalt  }
0x50: {  	_ =	shalt  }
0x51: {  	_ =	shalt  }
0x52: {  	_ =	shalt  }
0x53: {  	_ =	shalt  }
0x54: {  	_ =	shalt  }
0x55: {  	_ =	shalt  }
0x56: {  	_ =	shalt  }
0x57: {  	_ =	shalt  }
0x58: {  	_ =	shalt  }
0x59: {  	_ =	shalt  }
0x5a: {  	_ =	shalt  }
0x5b: {  	_ =	shalt  }
0x5c: {  	_ =	shalt  }
0x5d: {  	_ =	shalt  }
0x5e: {  	_ =	shalt  }
0x5f: {  	_ =	shalt  }
0x60: {  	_ =	shalt  }
0x61: {  	_ =	shalt  }
0x62: {  	_ =	shalt  }
0x63: {  	_ =	shalt  }
0x64: {  	_ =	shalt  }
0x65: {  	_ =	shalt  }
0x66: {  	_ =	shalt  }
0x67: {  	_ =	shalt  }
0x68: {  	_ =	shalt  }
0x69: {  	_ =	shalt  }
0x6a: {  	_ =	shalt  }
0x6b: {  	_ =	shalt  }
0x6c: {  	_ =	shalt  }
0x6d: {  	_ =	shalt  }
0x6e: {  	_ =	shalt  }
0x6f: {  	_ =	shalt  }
0x70: {  	_ =	shalt  }
0x71: {  	_ =	shalt  }
0x72: {  	_ =	shalt  }
0x73: {  	_ =	shalt  }
0x74: {  	_ =	shalt  }
0x75: {  	_ =	shalt  }
0x76: {  	_ =	shalt  }
0x77: {  	_ =	shalt  }
0x78: {  	_ =	shalt  }
0x79: {  	_ =	shalt  }
0x7a: {  	_ =	shalt  }
0x7b: {  	_ =	shalt  }
0x7c: {  	_ =	shalt  }
0x7d: {  	_ =	shalt  }
0x7e: {  	_ =	shalt  }
0x7f: {  	_ =	shalt  }
0x80: {  	_ =	shalt  }
0x81: {  	_ =	shalt  }
0x82: {  	_ =	shalt  }
0x83: {  	_ =	shalt  }
0x84: {  	_ =	shalt  }
0x85: {  	_ =	shalt  }
0x86: {  	_ =	shalt  }
0x87: {  	_ =	shalt  }
.Lfunc_end0:
.L_simem_size_0:
called_computation_lowered:
.L_overlay_start_0:
0x88: {  	s2 =	sld [smem:$0x3FD9]  }
0x89: {  	s3 =	sld [smem:$0x3FFE];
	_ =	sdelay $0x1  }
0x8a: {  	s1 =	srdreg.scid  }
0x8b: {  	s0 =	sand.u32 $0x1, s1  }
0x8c: {  	s18 =	sshll.u32 s0, $0xA;
	s2 =	sadd.s32 s3, s2  }
0x8d: {  	s2 =	sadd.s32 s2, s18  }
0x8e: {  	[smem:$0x3FC7] =	sst s2  }
0x8f: {  	_ = 	snop  }
0x90: {  	s2 =	sld [smem:$0x3FC9]  }
0x91: {  	s19 =	sld [smem:$0x3FD0];
	(tm) =	ssettm $0x1  }
0x92: {  	s4 =	sld [smem:$0x3FFB];
	_ =	sdelay $0x3  }
0x93: {  	_ =	strace s4  }
0x94: {  	s4 =	sld [smem:$0x3FFC];
	_ =	sdelay $0x3  }
0x95: {  	_ =	strace s4  }
0x96: {  	s4 =	sld [smem:$0x3FFD];
	_ =	sdelay $0x3  }
0x97: {  	_ =	strace s4  }
0x98: {  	_ =	strace $0x8FFFFFFF  }
0x99: {  	s20 =	sld [smem:$0x3FDB];
	_ =	sdelay $0x1  }
0x9a: {  	s5 =	simm.s32 $_scs_section_size  }
0x9b: {  	s6 =	simm.s32 $_size__tile_overlayer_lowered;
	s7 =	simm.s32 $_tile_overlayer_lowered  }
0x9c: {  	s23 =	simm.s32 $0x1BFF;
	s22 =	sshll.u32 s7, $0x1;
	s4 =	sadd.s32 s5, s20  }
0x9d: {  	s8 =	simm.s32 $0x0;
	s21 =	sshll.u32 s6, $0x1;
	s6 =	sadd.s32 s22, s4  }
0x9e: {  	[timem:s8], [sflag:s23] =	dma.local [hbm:s6], s21  }
0x9f: {  	_ =	swait.ge [sflag:s23], s21  }
0xa0: {  	s5 =	ssub.s32 $0x0, s21;
	[sflag:s23] =	ssyncset.done $0x0  }
0xa1: {  	[sflag:s23] =	ssyncadd.s32 s5;
	_ =	sdelay $0x1  }
0xa2: {  	s24 =	simm.s32 $0x1B8B  }
0xa3: {  	_ =	swait.ge [sflag:s24], $0x1  }
0xa4: {  	[sflag:s24] =	ssyncset.done $0x0  }
0xa5: {  	s25 =	simm.s32 $0x1B8E;
	[sflag:s24] =	ssyncadd.s32 $0xFFFFFFFF  }
0xa6: {  	s26 =	simm.s32 $execute0_lowered;
	[smem:$0x3FD2] =	sst s25  }
0xa7: {  	s5 =	sshll.u32 s26, $0x1;
	_ =	strace $0x80000046;
	[dreg:$0x1] =	wrdreg $0xFFFFFFFF  }
0xa8: {  	s28 =	simm.s32 $_size_execute0_lowered;
	s4 =	sadd.s32 s4, s5;
	[dreg:$0x0] =	wrdreg $0x0  }
0xa9: {  	s5 =	sshll.u32 s28, $0x1;
	[dreg:$0x2] =	wrdreg s4  }
0xaa: {  	[dreg:$0x3] =	wrdreg s5  }
0xab: {  	[dreg:$0x4] =	wrdreg $0xC0  }
0xac: {  	_ =	task [dreg:s8], $0x5FFFF  }
0xad: {  	[dreg:$0x1] =	wrdreg $0xFFFFFFFF  }
0xae: {  	[dreg:$0x0] =	wrdreg $0x60  }
0xaf: {  	[dreg:$0x2] =	wrdreg s2  }
0xb0: {  	[dreg:$0x3] =	wrdreg s19  }
0xb1: {  	[dreg:$0x4] =	wrdreg $0x9  }
0xb2: {  	_ =	task.clear_ibuf [dreg:s8], $0x5FFFF;
	_ =	strace $0x90000046  }
0xb3: {  	s29 =	simm.s32 $0x9;
	_ =	strace $0x80000048  }
0xb4: {  	_ =	swait.ge [sflag:s29], $0x1  }
0xb5: {  	[sflag:s29] =	ssyncadd.s32 $0xFFFFFFFF  }
0xb6: {  	_ =	strace $0x90000048  }
0xb7: {  	_ =	sfence  }
0xb8: {  	s30 =	sld [smem:$0x0];
	_ =	sdelay $0x2  }
0xb9: {  	s31 =	sshll.u32 s1, $0xD;
	s1 =	sshrl.u32 s1, $0x2  }
0xba: {  	s3 =	sand.u32 $0x4000, s31;
	s1 =	sadd.s32 s1, s30  }
0xbb: {  	s0 =	sor.u32 s3, s0;
	s1 =	sshll.u32 s1, $0x11  }
0xbc: {  	s0 =	sor.u32 s1, s0  }
0xbd: {  	s0 =	sadd.s32 $0x8F2B, s0  }
0xbe: {  	[sflag:s0] =	ssyncadd.remote.s32 $0x1  }
0xbf: {  	_ =	sfence.sel $0xFFFF  }
0xc0: {  	[dreg:$0x0] =	wrdreg $0xFFFFFFFF;
	(pc) =	sbr.abs _section_cstart, $3  }
0xc1: {  	[dreg:$0x1] =	wrdreg $0xFFFFFFFF  }
0xc2: {  	_ =	task.clear_ibuf [dreg:s8], $0x2FFFF;
	_ =	strace $0x9FFFFFFF  }
0xc3: {  	(tm) =	ssettm $0x7FFFFFFF  }
tec
execute0_lowered:
.L_overlay_start_1:
0x0: {  	(tag) =	ssettag $0x1  }
0x1: {  	s2 =	rddreg [dreg:$0x0]  }
0x2: {  	s5 =	rddreg [dreg:$0x1];
	s3 =	srdreg.scid  }
0x3: {  	s0 =	rddreg [dreg:$0x2];
	s1 =	stileid.u32;
	s3 =	sand.u32 $0x1, s3  }
0x4: {  	s9 =	simm.s32 $0x0;
	s4 =	sshll.u32 s1, $0xA;
	s6 =	ssub.s32 $0x2, s3  }
0x5: {  	s7 =	sshll.u32 s3, $0x9;
	s3 =	simm.s32 $0x0;
	s8 =	sshrl.u32 s6, $0x1  }
0x6: {  	s4 =	sor.u32 s7, s4;
	[smem:$0x7FF] =	sst s3;
	s6 =	ssub.s32 s6, s8  }
0x7: {  	s7 =	sshrl.u32 s4, $0x3;
	_ =	strace $0x80000047;
	s8 =	simm.s32 $0x80  }
0x8: {  	v0 =	vlaneseq.u32;
	s5 =	sadd.s32 s5, s7;
	s6 =	smax.u32 s6, $0x1;
	s7 =	simm.s32 $0x1  }
.LBB2_1:
0x9: {  	[tilespmem:s3], [sflag:$0x1] =	stream.linear.gather [hbm4b:s2+s3], $0x2, $0x38;
	[tilespmem:$0x280] =	vst v63  }
0xa: {  	_ =	swait.ge [sflag:s7], $0x2  }
0xb: {  	[sflag:s7] =	ssyncset.done $0x0  }
0xc: {  	[sflag:s7] =	ssyncadd.s32 $0xFFFFFFFE  }
0xd: {  	v1 =	vld [tilespmem:$0x0];
	_ =	sdelay $0x4  }
0xe: {  	v2 =	vbroadcast v1, $0x1;
	_ =	sdelay $0x1  }
0xf: {  	v1 =	vbroadcast v1, $0x0;
	v3 =	vadd.s32 $0x1, v2  }
0x10: {  	v4 =	vshrl.u32 v3, $0x13;
	v5 =	vshll.u32 v3, $0xD  }
0x11: {  	v3 =	vadd.s32 v1, v3;
	v4 =	vor.u32 v4, v5  }
0x12: {  	v4 =	vxor.u32 v3, v4  }
0x13: {  	v5 =	vshrl.u32 v4, $0x11;
	v6 =	vshll.u32 v4, $0xF  }
0x14: {  	v3 =	vadd.s32 v3, v4;
	v4 =	vor.u32 v5, v6  }
0x15: {  	v4 =	vxor.u32 v3, v4  }
0x16: {  	v5 =	vshrl.u32 v4, $0x6;
	v6 =	vshll.u32 v4, $0x1A  }
0x17: {  	v3 =	vadd.s32 v3, v4;
	v4 =	vor.u32 v5, v6  }
0x18: {  	v4 =	vxor.u32 v3, v4  }
0x19: {  	v5 =	vshrl.u32 v4, $0x1A;
	v6 =	vshll.u32 v4, $0x6  }
0x1a: {  	v7 =	vxor.u32 v1, v2;
	v3 =	vadd.s32 v3, v4;
	v4 =	vor.u32 v5, v6  }
0x1b: {  	v5 =	vxor.u32 $0x1BD11BDA, v7;
	v4 =	vxor.u32 v3, v4  }
0x1c: {  	v4 =	vadd.s32 v4, v5  }
0x1d: {  	v4 =	vadd.s32 $0x1, v4  }
0x1e: {  	v3 =	vadd.s32 v2, v3;
	v6 =	vshrl.u32 v4, $0xF;
	v7 =	vshll.u32 v4, $0x11  }
0x1f: {  	v3 =	vadd.s32 v4, v3;
	v4 =	vor.u32 v6, v7  }
0x20: {  	v4 =	vxor.u32 v3, v4  }
0x21: {  	v6 =	vshrl.u32 v4, $0x3;
	v7 =	vshll.u32 v4, $0x1D  }
0x22: {  	v3 =	vadd.s32 v3, v4;
	v4 =	vor.u32 v6, v7  }
0x23: {  	v4 =	vxor.u32 v3, v4  }
0x24: {  	v6 =	vshrl.u32 v4, $0x10;
	v7 =	vshll.u32 v4, $0x10  }
0x25: {  	v3 =	vadd.s32 v3, v4;
	v4 =	vor.u32 v6, v7  }
0x26: {  	v4 =	vxor.u32 v3, v4  }
0x27: {  	v6 =	vshrl.u32 v4, $0x8;
	v7 =	vshll.u32 v4, $0x18  }
0x28: {  	v3 =	vadd.s32 v3, v4;
	v4 =	vor.u32 v6, v7  }
0x29: {  	v4 =	vxor.u32 v3, v4  }
0x2a: {  	v4 =	vadd.s32 v4, v1  }
0x2b: {  	v4 =	vadd.s32 $0x2, v4  }
0x2c: {  	v3 =	vadd.s32 v5, v3;
	v6 =	vshrl.u32 v4, $0x13;
	v7 =	vshll.u32 v4, $0xD  }
0x2d: {  	v3 =	vadd.s32 v4, v3;
	v4 =	vor.u32 v6, v7  }
0x2e: {  	v4 =	vxor.u32 v3, v4  }
0x2f: {  	v6 =	vshrl.u32 v4, $0x11;
	v7 =	vshll.u32 v4, $0xF  }
0x30: {  	v3 =	vadd.s32 v3, v4;
	v4 =	vor.u32 v6, v7  }
0x31: {  	v4 =	vxor.u32 v3, v4  }
0x32: {  	v6 =	vshrl.u32 v4, $0x6;
	v7 =	vshll.u32 v4, $0x1A  }
0x33: {  	v3 =	vadd.s32 v3, v4;
	v4 =	vor.u32 v6, v7  }
0x34: {  	v4 =	vxor.u32 v3, v4  }
0x35: {  	v6 =	vshrl.u32 v4, $0x1A;
	v7 =	vshll.u32 v4, $0x6  }
0x36: {  	v3 =	vadd.s32 v3, v4;
	v4 =	vor.u32 v6, v7  }
0x37: {  	v4 =	vxor.u32 v3, v4  }
0x38: {  	v4 =	vadd.s32 v4, v2  }
0x39: {  	v4 =	vadd.s32 $0x3, v4  }
0x3a: {  	v3 =	vadd.s32 v1, v3;
	v6 =	vshrl.u32 v4, $0xF;
	v7 =	vshll.u32 v4, $0x11  }
0x3b: {  	v3 =	vadd.s32 v4, v3;
	v4 =	vor.u32 v6, v7  }
0x3c: {  	v4 =	vxor.u32 v3, v4  }
0x3d: {  	v6 =	vshrl.u32 v4, $0x3;
	v7 =	vshll.u32 v4, $0x1D  }
0x3e: {  	v3 =	vadd.s32 v3, v4;
	v4 =	vor.u32 v6, v7  }
0x3f: {  	v4 =	vxor.u32 v3, v4  }
0x40: {  	v6 =	vshrl.u32 v4, $0x10;
	v7 =	vshll.u32 v4, $0x10  }
0x41: {  	v3 =	vadd.s32 v3, v4;
	v4 =	vor.u32 v6, v7  }
0x42: {  	v4 =	vxor.u32 v3, v4  }
0x43: {  	v6 =	vshrl.u32 v4, $0x8;
	v7 =	vshll.u32 v4, $0x18  }
0x44: {  	v3 =	vadd.s32 v3, v4;
	v4 =	vor.u32 v6, v7  }
0x45: {  	v4 =	vxor.u32 v3, v4  }
0x46: {  	v4 =	vadd.s32 v4, v5  }
0x47: {  	v4 =	vadd.s32 $0x4, v4  }
0x48: {  	v2 =	vadd.s32 v2, v3;
	v3 =	vshrl.u32 v4, $0x13;
	v6 =	vshll.u32 v4, $0xD  }
0x49: {  	v2 =	vadd.s32 v4, v2;
	v3 =	vor.u32 v3, v6  }
0x4a: {  	v3 =	vxor.u32 v2, v3  }
0x4b: {  	v4 =	vshrl.u32 v3, $0x11;
	v6 =	vshll.u32 v3, $0xF  }
0x4c: {  	v2 =	vadd.s32 v2, v3;
	v3 =	vor.u32 v4, v6  }
0x4d: {  	v3 =	vxor.u32 v2, v3  }
0x4e: {  	v4 =	vshrl.u32 v3, $0x6;
	v6 =	vshll.u32 v3, $0x1A  }
0x4f: {  	v2 =	vadd.s32 v2, v3;
	v3 =	vor.u32 v4, v6  }
0x50: {  	v3 =	vxor.u32 v2, v3  }
0x51: {  	v4 =	vshrl.u32 v3, $0x1A;
	v6 =	vshll.u32 v3, $0x6  }
0x52: {  	v3 =	vadd.s32 v2, v3;
	v2 =	vor.u32 v4, v6  }
0x53: {  	v2 =	vxor.u32 v3, v2  }
0x54: {  	v4 =	vadd.s32 v2, v1  }
0x55: {  	s10 =	sor.u32 s4, s3;
	v2 =	vadd.s32 $0x5, v4  }
0x56: {  	v1 =	vadd.s32 s10, v2  }
0x57: {  	v1 =	vadd.s32 v0, v1  }
0x58: {  	v3 =	vadd.s32 v5, v3;
	v5 =	vshrl.u32 v1, $0x13;
	v6 =	vshll.u32 v1, $0xD  }
0x59: {  	v1 =	vadd.s32 v3, v1;
	v5 =	vor.u32 v5, v6  }
0x5a: {  	v5 =	vxor.u32 v1, v5  }
0x5b: {  	v6 =	vshrl.u32 v5, $0x11;
	v7 =	vshll.u32 v5, $0xF  }
0x5c: {  	v1 =	vadd.s32 v1, v5;
	v5 =	vor.u32 v6, v7  }
0x5d: {  	v5 =	vxor.u32 v1, v5  }
0x5e: {  	v6 =	vshrl.u32 v5, $0x6;
	v7 =	vshll.u32 v5, $0x1A  }
0x5f: {  	v5 =	vadd.s32 v1, v5;
	v1 =	vor.u32 v6, v7  }
0x60: {  	v6 =	vxor.u32 v5, v1  }
0x61: {  	v1 =	vxor.u32 v2, v3;
	v7 =	vshrl.u32 v6, $0x1A;
	v8 =	vshll.u32 v6, $0x6  }
0x62: {  	v1 =	vxor.u32 $0x1BD11BDA, v1;
	v5 =	vadd.s32 v5, v6;
	v6 =	vor.u32 v7, v8  }
0x63: {  	v7 =	vadd.s32 $0x1, v1;
	v6 =	vxor.u32 v5, v6  }
0x64: {  	v6 =	vadd.s32 v6, v7  }
0x65: {  	v5 =	vadd.s32 v2, v5;
	v8 =	vshrl.u32 v6, $0xF;
	v9 =	vshll.u32 v6, $0x11  }
0x66: {  	v5 =	vadd.s32 v6, v5;
	v6 =	vor.u32 v8, v9  }
0x67: {  	v6 =	vxor.u32 v5, v6  }
0x68: {  	v8 =	vshrl.u32 v6, $0x3;
	v9 =	vshll.u32 v6, $0x1D  }
0x69: {  	v5 =	vadd.s32 v5, v6;
	v6 =	vor.u32 v8, v9  }
0x6a: {  	v6 =	vxor.u32 v5, v6  }
0x6b: {  	v8 =	vshrl.u32 v6, $0x10;
	v9 =	vshll.u32 v6, $0x10  }
0x6c: {  	v5 =	vadd.s32 v5, v6;
	v6 =	vor.u32 v8, v9  }
0x6d: {  	v6 =	vxor.u32 v5, v6  }
0x6e: {  	v8 =	vshrl.u32 v6, $0x8;
	v9 =	vshll.u32 v6, $0x18  }
0x6f: {  	v5 =	vadd.s32 v5, v6;
	v6 =	vor.u32 v8, v9  }
0x70: {  	v8 =	vadd.s32 $0x2, v3;
	v6 =	vxor.u32 v5, v6  }
0x71: {  	v6 =	vadd.s32 v6, v8  }
0x72: {  	v5 =	vadd.s32 v1, v5;
	v9 =	vshrl.u32 v6, $0x13;
	v10 =	vshll.u32 v6, $0xD  }
0x73: {  	s30 =	simm.s32 $0x10;
	v5 =	vadd.s32 v6, v5;
	v6 =	vor.u32 v9, v10  }
0x74: {  	s10 =	sor.u32 s4, s30;
	v6 =	vxor.u32 v5, v6  }
0x75: {  	v9 =	vadd.s32 s10, v2;
	v10 =	vshrl.u32 v6, $0x11;
	v11 =	vshll.u32 v6, $0xF  }
0x76: {  	v9 =	vadd.s32 v0, v9;
	v5 =	vadd.s32 v5, v6;
	v6 =	vor.u32 v10, v11  }
0x77: {  	v10 =	vadd.s32 v3, v9;
	v11 =	vshrl.u32 v9, $0x13;
	v6 =	vxor.u32 v5, v6  }
0x78: {  	v9 =	vshll.u32 v9, $0xD;
	v12 =	vshrl.u32 v6, $0x6;
	v13 =	vshll.u32 v6, $0x1A  }
0x79: {  	v9 =	vor.u32 v11, v9;
	v5 =	vadd.s32 v5, v6;
	v11 =	vor.u32 v12, v13  }
0x7a: {  	v6 =	vadd.s32 $0x8, v4;
	v4 =	vxor.u32 v10, v9;
	v9 =	vxor.u32 v5, v11  }
0x7b: {  	v14 =	vshll.u32 v4, $0xF;
	v12 =	vshrl.u32 v9, $0x1A;
	v13 =	vshll.u32 v9, $0x6  }
0x7c: {  	v11 =	vshrl.u32 v4, $0x11;
	v5 =	vadd.s32 v5, v9;
	v9 =	vor.u32 v12, v13  }
0x7d: {  	v4 =	vadd.s32 v10, v4;
	v10 =	vor.u32 v11, v14;
	v9 =	vxor.u32 v5, v9  }
0x7e: {  	v10 =	vxor.u32 v4, v10;
	v9 =	vadd.s32 v9, v6  }
0x7f: {  	v5 =	vadd.s32 v3, v5;
	v11 =	vshrl.u32 v9, $0xF;
	v12 =	vshll.u32 v9, $0x11  }
0x80: {  	v4 =	vadd.s32 v4, v10;
	v5 =	vadd.s32 v9, v5;
	v9 =	vor.u32 v11, v12  }
0x81: {  	v11 =	vshrl.u32 v10, $0x6;
	v10 =	vshll.u32 v10, $0x1A;
	v9 =	vxor.u32 v5, v9  }
0x82: {  	v10 =	vor.u32 v11, v10;
	v11 =	vshrl.u32 v9, $0x3;
	v12 =	vshll.u32 v9, $0x1D  }
0x83: {  	v10 =	vxor.u32 v4, v10;
	v9 =	vadd.s32 v5, v9;
	v11 =	vor.u32 v11, v12  }
0x84: {  	v5 =	vadd.s32 $0x4, v1;
	v4 =	vadd.s32 v4, v10;
	v11 =	vxor.u32 v9, v11  }
0x85: {  	v12 =	vshrl.u32 v10, $0x1A;
	v13 =	vshrl.u32 v11, $0x10;
	v14 =	vshll.u32 v11, $0x10  }
0x86: {  	v10 =	vshll.u32 v10, $0x6;
	v9 =	vadd.s32 v9, v11;
	v11 =	vor.u32 v13, v14  }
0x87: {  	v10 =	vor.u32 v12, v10;
	v12 =	vadd.s32 v2, v4;
	v11 =	vxor.u32 v9, v11  }
0x88: {  	v4 =	vxor.u32 v4, v10;
	v10 =	vshrl.u32 v11, $0x8;
	v13 =	vshll.u32 v11, $0x18  }
0x89: {  	v14 =	vadd.s32 v4, v7;
	v9 =	vadd.s32 v9, v11;
	v10 =	vor.u32 v10, v13  }
0x8a: {  	v4 =	vadd.s32 $0x5, v3;
	v11 =	vadd.s32 v14, v12;
	v10 =	vxor.u32 v9, v10  }
0x8b: {  	v12 =	vshrl.u32 v14, $0xF;
	v13 =	vshll.u32 v14, $0x11;
	v10 =	vadd.s32 v10, v5  }
0x8c: {  	s31 =	simm.s32 $0x20;
	v9 =	vadd.s32 v2, v9;
	v14 =	vshrl.u32 v10, $0x13;
	v15 =	vshll.u32 v10, $0xD  }
0x8d: {  	s10 =	sor.u32 s4, s31;
	v12 =	vor.u32 v12, v13;
	v9 =	vadd.s32 v10, v9;
	v10 =	vor.u32 v14, v15  }
0x8e: {  	v13 =	vadd.s32 s10, v2;
	v12 =	vxor.u32 v11, v12;
	v10 =	vxor.u32 v9, v10  }
0x8f: {  	v17 =	vshll.u32 v12, $0x1D;
	v15 =	vshrl.u32 v10, $0x11;
	v16 =	vshll.u32 v10, $0xF  }
0x90: {  	v14 =	vshrl.u32 v12, $0x3;
	v9 =	vadd.s32 v9, v10;
	v10 =	vor.u32 v15, v16  }
0x91: {  	v11 =	vadd.s32 v11, v12;
	v12 =	vor.u32 v14, v17;
	v10 =	vxor.u32 v9, v10  }
0x92: {  	v12 =	vxor.u32 v11, v12;
	v14 =	vshrl.u32 v10, $0x6;
	v15 =	vshll.u32 v10, $0x1A  }
0x93: {  	v11 =	vadd.s32 v11, v12;
	v9 =	vadd.s32 v9, v10;
	v10 =	vor.u32 v14, v15  }
0x94: {  	v14 =	vshrl.u32 v12, $0x10;
	v12 =	vshll.u32 v12, $0x10;
	v10 =	vxor.u32 v9, v10  }
0x95: {  	v12 =	vor.u32 v14, v12;
	v14 =	vshrl.u32 v10, $0x1A;
	v15 =	vshll.u32 v10, $0x6  }
0x96: {  	v12 =	vxor.u32 v11, v12;
	v9 =	vadd.s32 v9, v10;
	v10 =	vor.u32 v14, v15  }
0x97: {  	v13 =	vadd.s32 v0, v13;
	v14 =	vshrl.u32 v12, $0x8;
	v10 =	vxor.u32 v9, v10  }
0x98: {  	v15 =	vshll.u32 v12, $0x18;
	v9 =	vadd.s32 v1, v9;
	v10 =	vadd.s32 v10, v4  }
0x99: {  	v11 =	vadd.s32 v11, v12;
	v12 =	vor.u32 v14, v15;
	v9 =	vxor.u32 v9, v10  }
0x9a: {  	v15 =	vshrl.u32 v13, $0x13;
	v12 =	vxor.u32 v11, v12;
	v14 =	vshrl.u32 v9, $0x10  }
0x9b: {  	v11 =	vadd.s32 v1, v11;
	v12 =	vadd.s32 v12, v8;
	v14 =	vcvt.s32.f32 v14  }
0x9c: {  	v10 =	vadd.s32 v3, v13;
	v55 =	vshrl.u32 v12, $0x13;
	v56 =	vand.u32 $0xFFFF, v9  }
0x9d: {  	v18 =	vshll.u32 v12, $0xD;
	v17 =	vcvt.s32.f32 v56;
	v14 =	vmul.f32 $6.553600000e+04, v14  }
0x9e: {  	v13 =	vshll.u32 v13, $0xD;
	v11 =	vadd.s32 v12, v11;
	v12 =	vor.u32 v55, v18  }
0x9f: {  	v13 =	vor.u32 v15, v13;
	v12 =	vxor.u32 v11, v12;
	v14 =	vadd.f32 v17, v14  }
0xa0: {  	v13 =	vxor.u32 v10, v13;
	v15 =	vshrl.u32 v12, $0x11;
	v57 =	vshll.u32 v12, $0xF  }
0xa1: {  	v11 =	vadd.s32 v11, v12;
	v12 =	vor.u32 v15, v57;
	v14 =	vmul.f32 $9.999999970e-07, v14  }
0xa2: {  	v58 =	vshll.u32 v13, $0xF;
	v15 =	vshrl.u32 v13, $0x11;
	v12 =	vxor.u32 v11, v12  }
0xa3: {  	v59 =	vshrl.u32 v12, $0x6;
	v60 =	vshll.u32 v12, $0x1A;
	v14 =	vtrunc.f32 v14  }
0xa4: {  	v11 =	vadd.s32 v11, v12;
	v12 =	vor.u32 v59, v60;
	v14 =	vcvt.f32.s32 v14  }
0xa5: {  	v10 =	vadd.s32 v10, v13;
	v13 =	vor.u32 v15, v58;
	v12 =	vxor.u32 v11, v12  }
0xa6: {  	v15 =	vshrl.u32 v12, $0x1A;
	v61 =	vshll.u32 v12, $0x6;
	v14 =	vmul.u32 $0xFFF0BDC0, v14  }
0xa7: {  	v13 =	vxor.u32 v10, v13;
	v11 =	vadd.s32 v11, v12;
	v12 =	vor.u32 v15, v61  }
0xa8: {  	v10 =	vadd.s32 v10, v13;
	v12 =	vxor.u32 v11, v12;
	v9 =	vadd.s32 v9, v14  }
0xa9: {  	v12 =	vadd.s32 v12, v6;
	vm0 =	vlt.s32 v9, $0x0;
	v14 =	vadd.s32 $0xF4240, v9  }
0xaa: {  	v11 =	vadd.s32 v3, v11;
	v15 =	vshrl.u32 v12, $0xF;
	v14 =	vsel vm0, v14, v9  }
0xab: {  	v62 =	vshll.u32 v12, $0x11;
	vm0 =	vgt.s32 v14, $0xF423F;
	v63 =	vadd.s32 $0xFFF0BDC0, v14  }
0xac: {  	v9 =	vadd.s32 v12, v11;
	v11 =	vor.u32 v15, v62;
	v14 =	vsel vm0, v63, v14  }
0xad: {  	s11 =	simm.s32 $0x30;
	s10 =	simm.s32 $0x80;
	v12 =	vshrl.u32 v13, $0x6;
	v13 =	vshll.u32 v13, $0x1A;
	v11 =	vxor.u32 v9, v11;
	[tilespmem:s8+$0x0] =	vst v14  }
.LBB2_2:
0xae: {  	p0 =	sne.s32 s11, $0x1F0;
	v12 =	vor.u32 v12, v13;
	v13 =	vshrl.u32 v11, $0x3;
	v14 =	vshll.u32 v11, $0x1D  }
0xaf: {  	v9 =	vadd.s32 v9, v11;
	v12 =	vxor.u32 v10, v12;
	v11 =	vor.u32 v13, v14  }
0xb0: {  	v10 =	vadd.s32 v10, v12;
	v11 =	vxor.u32 v9, v11  }
0xb1: {  	v13 =	vshrl.u32 v12, $0x1A;
	v14 =	vshrl.u32 v11, $0x10;
	v15 =	vshll.u32 v11, $0x10  }
0xb2: {  	v12 =	vshll.u32 v12, $0x6;
	v9 =	vadd.s32 v9, v11;
	v11 =	vor.u32 v14, v15  }
0xb3: {  	v12 =	vor.u32 v13, v12;
	v13 =	vadd.s32 v2, v10;
	v11 =	vxor.u32 v9, v11  }
0xb4: {  	v10 =	vxor.u32 v10, v12;
	v12 =	vshrl.u32 v11, $0x8;
	v14 =	vshll.u32 v11, $0x18  }
0xb5: {  	v10 =	vadd.s32 v10, v7;
	v9 =	vadd.s32 v9, v11;
	v11 =	vor.u32 v12, v14  }
0xb6: {  	v12 =	vadd.s32 v10, v13;
	v11 =	vxor.u32 v9, v11  }
0xb7: {  	v13 =	vshrl.u32 v10, $0xF;
	v10 =	vshll.u32 v10, $0x11;
	v11 =	vadd.s32 v11, v5  }
0xb8: {  	v9 =	vadd.s32 v2, v9;
	v14 =	vshrl.u32 v11, $0x13;
	v15 =	vshll.u32 v11, $0xD  }
0xb9: {  	s12 =	sor.u32 s4, s11;
	v10 =	vor.u32 v13, v10;
	v9 =	vadd.s32 v11, v9;
	v11 =	vor.u32 v14, v15  }
0xba: {  	v13 =	vadd.s32 s12, v2;
	v10 =	vxor.u32 v12, v10;
	v11 =	vxor.u32 v9, v11  }
0xbb: {  	v14 =	vshrl.u32 v10, $0x3;
	v15 =	vshrl.u32 v11, $0x11;
	v16 =	vshll.u32 v11, $0xF  }
0xbc: {  	v17 =	vshll.u32 v10, $0x1D;
	v9 =	vadd.s32 v9, v11;
	v11 =	vor.u32 v15, v16  }
0xbd: {  	v10 =	vadd.s32 v12, v10;
	v12 =	vor.u32 v14, v17;
	v11 =	vxor.u32 v9, v11  }
0xbe: {  	v12 =	vxor.u32 v10, v12;
	v14 =	vshrl.u32 v11, $0x6;
	v15 =	vshll.u32 v11, $0x1A  }
0xbf: {  	v10 =	vadd.s32 v10, v12;
	v9 =	vadd.s32 v9, v11;
	v11 =	vor.u32 v14, v15  }
0xc0: {  	v14 =	vshrl.u32 v12, $0x10;
	v12 =	vshll.u32 v12, $0x10;
	v11 =	vxor.u32 v9, v11  }
0xc1: {  	v12 =	vor.u32 v14, v12;
	v14 =	vshrl.u32 v11, $0x1A;
	v15 =	vshll.u32 v11, $0x6  }
0xc2: {  	v12 =	vxor.u32 v10, v12;
	v9 =	vadd.s32 v9, v11;
	v11 =	vor.u32 v14, v15  }
0xc3: {  	v13 =	vadd.s32 v0, v13;
	v14 =	vshrl.u32 v12, $0x8;
	v11 =	vxor.u32 v9, v11  }
0xc4: {  	v15 =	vshll.u32 v12, $0x18;
	v9 =	vadd.s32 v1, v9;
	v11 =	vadd.s32 v11, v4  }
0xc5: {  	v10 =	vadd.s32 v10, v12;
	v12 =	vor.u32 v14, v15;
	v9 =	vxor.u32 v9, v11  }
0xc6: {  	v12 =	vxor.u32 v10, v12;
	v11 =	vadd.s32 v3, v13;
	v14 =	vshrl.u32 v9, $0x10  }
0xc7: {  	v15 =	vshrl.u32 v13, $0x13;
	v12 =	vadd.s32 v12, v8;
	v14 =	vcvt.s32.f32 v14  }
0xc8: {  	v10 =	vadd.s32 v1, v10;
	v16 =	vshrl.u32 v12, $0x13;
	v17 =	vand.u32 $0xFFFF, v9  }
0xc9: {  	v18 =	vshll.u32 v12, $0xD;
	v17 =	vcvt.s32.f32 v17;
	v14 =	vmul.f32 $6.553600000e+04, v14  }
0xca: {  	v13 =	vshll.u32 v13, $0xD;
	v10 =	vadd.s32 v12, v10;
	v12 =	vor.u32 v16, v18  }
0xcb: {  	v13 =	vor.u32 v15, v13;
	v12 =	vxor.u32 v10, v12;
	v14 =	vadd.f32 v17, v14  }
0xcc: {  	v13 =	vxor.u32 v11, v13;
	v15 =	vshrl.u32 v12, $0x11;
	v16 =	vshll.u32 v12, $0xF  }
0xcd: {  	v10 =	vadd.s32 v10, v12;
	v12 =	vor.u32 v15, v16;
	v14 =	vmul.f32 $9.999999970e-07, v14  }
0xce: {  	v15 =	vshrl.u32 v13, $0x11;
	v16 =	vshll.u32 v13, $0xF;
	v12 =	vxor.u32 v10, v12  }
0xcf: {  	v17 =	vshrl.u32 v12, $0x6;
	v18 =	vshll.u32 v12, $0x1A;
	v14 =	vtrunc.f32 v14  }
0xd0: {  	v10 =	vadd.s32 v10, v12;
	v12 =	vor.u32 v17, v18;
	v14 =	vcvt.f32.s32 v14  }
0xd1: {  	v11 =	vadd.s32 v11, v13;
	v13 =	vor.u32 v15, v16;
	v12 =	vxor.u32 v10, v12  }
0xd2: {  	v15 =	vshrl.u32 v12, $0x1A;
	v16 =	vshll.u32 v12, $0x6;
	v14 =	vmul.u32 $0xFFF0BDC0, v14  }
0xd3: {  	v13 =	vxor.u32 v11, v13;
	v12 =	vadd.s32 v10, v12;
	v15 =	vor.u32 v15, v16  }
0xd4: {  	v10 =	vadd.s32 v11, v13;
	v11 =	vxor.u32 v12, v15;
	v9 =	vadd.s32 v9, v14  }
.Ltmp0:
0xd5: {  	v11 =	vadd.s32 v11, v6;
	vm0 =	vlt.s32 v9, $0x0;
	v14 =	vadd.s32 $0xF4240, v9;
	(pc) =	sbr.rel @p0 .LBB2_2-.Ltmp0, $4  }
0xd6: {  	v12 =	vadd.s32 v3, v12;
	v15 =	vshrl.u32 v11, $0xF;
	v14 =	vsel vm0, v14, v9  }
0xd7: {  	v16 =	vshll.u32 v11, $0x11;
	vm0 =	vgt.s32 v14, $0xF423F;
	v17 =	vadd.s32 $0xFFF0BDC0, v14  }
0xd8: {  	s10 =	sadd.s32 $0x10, s10;
	v9 =	vadd.s32 v11, v12;
	v11 =	vor.u32 v15, v16;
	v14 =	vsel vm0, v17, v14  }
0xd9: {  	s11 =	sadd.s32 $0x10, s11;
	v12 =	vshrl.u32 v13, $0x6;
	v13 =	vshll.u32 v13, $0x1A;
	v11 =	vxor.u32 v9, v11;
	[tilespmem:s10+$0x0] =	vst v14  }
0xda: {  	v12 =	vor.u32 v12, v13  }
0xdb: {  	v12 =	vxor.u32 v10, v12  }
0xdc: {  	v47 =	vshrl.u32 v12, $0x1A;
	v14 =	vshll.u32 v12, $0x6  }
0xdd: {  	v10 =	vadd.s32 v10, v12;
	v48 =	vor.u32 v47, v14  }
0xde: {  	v12 =	vxor.u32 v10, v48  }
0xdf: {  	v7 =	vadd.s32 v12, v7  }
0xe0: {  	v10 =	vadd.s32 v2, v10;
	v12 =	vshrl.u32 v7, $0xF;
	v49 =	vshll.u32 v7, $0x11  }
0xe1: {  	v7 =	vadd.s32 v7, v10;
	v50 =	vor.u32 v12, v49  }
0xe2: {  	v10 =	vxor.u32 v7, v50  }
0xe3: {  	v51 =	vshrl.u32 v10, $0x3;
	v52 =	vshll.u32 v10, $0x1D  }
0xe4: {  	v7 =	vadd.s32 v7, v10;
	v53 =	vor.u32 v51, v52  }
0xe5: {  	v10 =	vxor.u32 v7, v53  }
0xe6: {  	v54 =	vshrl.u32 v10, $0x10;
	v55 =	vshll.u32 v10, $0x10  }
0xe7: {  	v7 =	vadd.s32 v7, v10;
	v56 =	vor.u32 v54, v55  }
0xe8: {  	v10 =	vxor.u32 v7, v56  }
0xe9: {  	v57 =	vshrl.u32 v10, $0x8;
	v58 =	vshll.u32 v10, $0x18  }
0xea: {  	v7 =	vadd.s32 v7, v10;
	v59 =	vor.u32 v57, v58  }
0xeb: {  	v10 =	vxor.u32 v7, v59  }
0xec: {  	v8 =	vadd.s32 v10, v8  }
0xed: {  	v7 =	vadd.s32 v1, v7;
	v10 =	vshrl.u32 v8, $0x13;
	v60 =	vshll.u32 v8, $0xD  }
0xee: {  	v7 =	vadd.s32 v8, v7;
	v61 =	vor.u32 v10, v60  }
0xef: {  	v8 =	vxor.u32 v7, v61  }
0xf0: {  	v62 =	vshrl.u32 v8, $0x11;
	v63 =	vshll.u32 v8, $0xF  }
0xf1: {  	v7 =	vadd.s32 v7, v8;
	v16 =	vor.u32 v62, v63  }
0xf2: {  	v17 =	vshrl.u32 v11, $0x3;
	v18 =	vshll.u32 v11, $0x1D;
	v8 =	vxor.u32 v7, v16  }
0xf3: {  	v9 =	vadd.s32 v9, v11;
	v19 =	vshrl.u32 v8, $0x6;
	v20 =	vshll.u32 v8, $0x1A  }
0xf4: {  	v10 =	vor.u32 v17, v18;
	v7 =	vadd.s32 v7, v8;
	v21 =	vor.u32 v19, v20  }
0xf5: {  	v10 =	vxor.u32 v9, v10;
	v8 =	vxor.u32 v7, v21  }
0xf6: {  	v22 =	vshrl.u32 v10, $0x10;
	v23 =	vshrl.u32 v8, $0x1A;
	v24 =	vshll.u32 v8, $0x6  }
0xf7: {  	v25 =	vshll.u32 v10, $0x10;
	v7 =	vadd.s32 v7, v8;
	v26 =	vor.u32 v23, v24  }
0xf8: {  	v9 =	vadd.s32 v9, v10;
	v27 =	vor.u32 v22, v25;
	v8 =	vxor.u32 v7, v26  }
0xf9: {  	v10 =	vxor.u32 v9, v27;
	v6 =	vadd.s32 v8, v6  }
0xfa: {  	v3 =	vadd.s32 v3, v7;
	v28 =	vshrl.u32 v6, $0xF;
	v8 =	vshll.u32 v6, $0x11  }
0xfb: {  	v29 =	vshrl.u32 v10, $0x8;
	v3 =	vadd.s32 v6, v3;
	v30 =	vor.u32 v28, v8  }
0xfc: {  	v31 =	vshll.u32 v10, $0x18;
	v32 =	vadd.s32 v9, v10;
	v6 =	vxor.u32 v3, v30  }
0xfd: {  	v7 =	vor.u32 v29, v31;
	v33 =	vshrl.u32 v6, $0x3;
	v34 =	vshll.u32 v6, $0x1D  }
0xfe: {  	v7 =	vxor.u32 v32, v7;
	v3 =	vadd.s32 v3, v6;
	v35 =	vor.u32 v33, v34  }
0xff: {  	v7 =	vadd.s32 v7, v5;
	v6 =	vxor.u32 v3, v35  }
0x100: {  	v8 =	vadd.s32 v2, v32;
	v36 =	vshrl.u32 v6, $0x10;
	v37 =	vshll.u32 v6, $0x10  }
0x101: {  	v38 =	vshrl.u32 v7, $0x13;
	v3 =	vadd.s32 v3, v6;
	v39 =	vor.u32 v36, v37  }
0x102: {  	v40 =	vshll.u32 v7, $0xD;
	v7 =	vadd.s32 v7, v8;
	v6 =	vxor.u32 v3, v39  }
0x103: {  	v41 =	vor.u32 v38, v40;
	v42 =	vshrl.u32 v6, $0x8;
	v43 =	vshll.u32 v6, $0x18  }
0x104: {  	v8 =	vxor.u32 v7, v41;
	v3 =	vadd.s32 v3, v6;
	v44 =	vor.u32 v42, v43  }
0x105: {  	v45 =	vshrl.u32 v8, $0x11;
	v6 =	vxor.u32 v3, v44  }
0x106: {  	v46 =	vshll.u32 v8, $0xF;
	v7 =	vadd.s32 v7, v8;
	v47 =	vadd.s32 v6, v5  }
0x107: {  	v2 =	vadd.s32 v2, v3;
	v3 =	vshrl.u32 v47, $0x13;
	v6 =	vshll.u32 v47, $0xD  }
0x108: {  	v48 =	vor.u32 v45, v46;
	v2 =	vadd.s32 v47, v2;
	v3 =	vor.u32 v3, v6  }
0x109: {  	v49 =	vxor.u32 v7, v48;
	v3 =	vxor.u32 v2, v3  }
0x10a: {  	v50 =	vshrl.u32 v49, $0x6;
	v51 =	vshrl.u32 v3, $0x11;
	v52 =	vshll.u32 v3, $0xF  }
0x10b: {  	v53 =	vshll.u32 v49, $0x1A;
	v2 =	vadd.s32 v2, v3;
	v3 =	vor.u32 v51, v52  }
0x10c: {  	v5 =	vadd.s32 v7, v49;
	v6 =	vor.u32 v50, v53;
	v3 =	vxor.u32 v2, v3  }
0x10d: {  	v6 =	vxor.u32 v5, v6;
	v54 =	vshrl.u32 v3, $0x6;
	v55 =	vshll.u32 v3, $0x1A  }
0x10e: {  	v56 =	vshrl.u32 v6, $0x1A;
	v2 =	vadd.s32 v2, v3;
	v3 =	vor.u32 v54, v55  }
0x10f: {  	v57 =	vshll.u32 v6, $0x6;
	v5 =	vadd.s32 v5, v6;
	v3 =	vxor.u32 v2, v3  }
0x110: {  	v58 =	vor.u32 v56, v57;
	v59 =	vshrl.u32 v3, $0x1A;
	v60 =	vshll.u32 v3, $0x6  }
0x111: {  	v6 =	vxor.u32 v5, v58;
	v2 =	vadd.s32 v2, v3;
	v3 =	vor.u32 v59, v60  }
0x112: {  	v5 =	vadd.s32 v1, v5;
	v6 =	vadd.s32 v6, v4;
	v3 =	vxor.u32 v2, v3  }
0x113: {  	v5 =	vxor.u32 v5, v6;
	v1 =	vadd.s32 v1, v2;
	v2 =	vadd.s32 v3, v4  }
0x114: {  	v3 =	vshrl.u32 v5, $0x10;
	v1 =	vxor.u32 v1, v2  }
0x115: {  	v2 =	vcvt.s32.f32 v3;
	v3 =	vshrl.u32 v1, $0x10  }
0x116: {  	v61 =	vand.u32 $0xFFFF, v5;
	v3 =	vcvt.s32.f32 v3  }
0x117: {  	v4 =	vcvt.s32.f32 v61;
	v62 =	vand.u32 $0xFFFF, v1;
	v2 =	vmul.f32 $6.553600000e+04, v2  }
0x118: {  	v6 =	vcvt.s32.f32 v62;
	v3 =	vmul.f32 $6.553600000e+04, v3  }
0x119: {  	v2 =	vadd.f32 v4, v2  }
0x11a: {  	v3 =	vadd.f32 v6, v3  }
0x11b: {  	v2 =	vmul.f32 $9.999999970e-07, v2  }
0x11c: {  	v3 =	vmul.f32 $9.999999970e-07, v3  }
0x11d: {  	v2 =	vtrunc.f32 v2  }
0x11e: {  	v2 =	vcvt.f32.s32 v2;
	v3 =	vtrunc.f32 v3  }
0x11f: {  	v3 =	vcvt.f32.s32 v3  }
0x120: {  	v2 =	vmul.u32 $0xFFF0BDC0, v2  }
0x121: {  	v3 =	vmul.u32 $0xFFF0BDC0, v3  }
0x122: {  	v2 =	vadd.s32 v5, v2  }
0x123: {  	vm0 =	vlt.s32 v2, $0x0;
	v63 =	vadd.s32 $0xF4240, v2;
	v1 =	vadd.s32 v1, v3  }
0x124: {  	v2 =	vsel vm0, v63, v2;
	vm13 =	vlt.s32 v1, $0x0;
	v3 =	vadd.s32 $0xF4240, v1  }
0x125: {  	vm14 =	vgt.s32 v2, $0xF423F;
	v1 =	vsel vm13, v3, v1;
	v3 =	vadd.s32 $0xFFF0BDC0, v2  }
0x126: {  	s10 =	sadd.s32 $0x10, s10;
	s9 =	sadd.s32 $0x1, s9;
	v2 =	vsel vm14, v3, v2;
	vm15 =	vgt.s32 v1, $0xF423F;
	v3 =	vadd.s32 $0xFFF0BDC0, v1  }
0x127: {  	p0 =	sne.s32 s9, s6;
	[tilespmem:s10+$0x0] =	vst v2;
	v1 =	vsel vm15, v3, v1;
	s10 =	sadd.s32 $0x10, s10  }
.Ltmp1:
0x128: {  	[tilespmem:s10+$0x0] =	vst v1;
	(pc) =	sbr.rel @p0 .LBB2_1-.Ltmp1, $4  }
0x129: {  	[hbm4b:s5+s3] =	stream.linear.scatter [tilespmem:s8], [sflag:$0x1], $0x200, $0x38;
	[tilespmem:$0x280] =	vst v63  }
0x12a: {  	_ =	swait.ge [sflag:s7], $0x200  }
0x12b: {  	[sflag:s7] =	ssyncset.done $0x0  }
0x12c: {  	[sflag:s7] =	ssyncadd.s32 $0xFFFFFE00  }
0x12d: {  	_ =	sfence.sel $0x180000  }
0x12e: {  	[bflag:$0x0] =	sbarrier.arrive $0xFFFF  }
0x12f: {  	p0 =	sne.s32 s1, $0x0;
	_ =	strace $0x90000047  }
0x130: {  	s0 =	sadd.s32 @!p0 $0x100000, s0;
	[bflag:$0x2] =	sbarrier.arrive $0xFFFF  }
0x131: {  	[sflag:s0] =	ssyncadd.tile.s32 @!p0 $0x1;
	_ =	shalt  }
.Lfunc_end2:
_tile_overlayer_lowered:
.L_overlay_start_2:
0x132: {  	(tag) =	ssettag $0x2  }
0x133: {  	s0 =	rddreg [dreg:$0x0];
	s2 =	stileid.u32  }
0x134: {  	s1 =	rddreg [dreg:$0x1];
	p0 =	sne.s32 s2, $0x0  }
0x135: {  	s3 =	rddreg [dreg:$0x2];
	[bflag:$0x3] =	sbarrier.arrive $0xFFFF;
	s2 =	simm.s32 @!p0 $0x1C01  }
0x136: {  	[timem:s3], [sflag:s2] =	dma.local @!p0 [hbm:s0], s1  }
0x137: {  	s0 =	simm.s32 @!p0 $0x1  }
0x138: {  	_ =	swait.ge @!p0 [sflag:s0], s1  }
0x139: {  	s1 =	ssub.s32 @!p0 $0x0, s1;
	[sflag:s0] =	ssyncset.done @!p0 $0x0  }
0x13a: {  	[sflag:s0] =	ssyncadd.s32 @!p0 s1  }
0x13b: {  	[bflag:$0x3] =	sbarrier.arrive $0xFFFF  }
0x13c: {  	_ =	shalt  }

</sc_bundles>
